<compile_context>
chip_gen: v7x
topology: tpu7x:2x2x1
jax: 0.10.2.dev20260603
libtpu: 0.0.44.dev20260713+nightly
codegen_flags: <defaults>
</compile_context>

<pallas_src>
import functools

import jax
import jax.numpy as jnp
import numpy as np
from jax import lax
from jax.experimental import pallas as pl
from jax.experimental.pallas import tpu as pltpu
from jax.experimental.pallas import tpu_sc as plsc

CLUSTERS = 128
ITERATIONS = 10
BITS = 32

SC_WORKERS = 32
SC_CHUNK = 512
SC_ROW = 128


def _sc_broadcast(table, idx):
    B = idx.shape[0]
    E = table.shape[1]
    bpw = B // SC_WORKERS
    mesh = plsc.VectorSubcoreMesh(core_axis_name="c", subcore_axis_name="s")

    @functools.partial(
        pl.kernel,
        mesh=mesh,
        out_type=jax.ShapeDtypeStruct((B, E), jnp.float32),
        scratch_types=[
            pltpu.VMEM((SC_CHUNK,), jnp.int32),
            pltpu.VMEM((SC_CHUNK, E), jnp.float32),
            pltpu.SemaphoreType.DMA,
        ],
    )
    def gather_kernel(table_hbm, idx_hbm, out_hbm, idx_v, rows_v, sem):
        wid = lax.axis_index("s") * 2 + lax.axis_index("c")
        base = wid * bpw
        for ch in range(bpw // SC_CHUNK):
            off = base + ch * SC_CHUNK
            pltpu.sync_copy(idx_hbm.at[pl.ds(off, SC_CHUNK)], idx_v)
            pltpu.async_copy(table_hbm.at[idx_v], rows_v, sem).wait()
            pltpu.sync_copy(rows_v, out_hbm.at[pl.ds(off, SC_CHUNK)])

    return gather_kernel(table, idx)


def _attn_body(q_ref, k_ref, v_ref, kadd_ref, planes_ref, vg_ref, idx_ref):
    L, E = q_ref.shape[1], q_ref.shape[2]
    C = CLUSTERS
    q = q_ref[0]
    w = planes_ref[:, :E]
    b = planes_ref[:, E]

    proj = jnp.dot(q, w.T, preferred_element_type=jnp.float32) + b[None, :]
    hb = (proj > 0.0).astype(jnp.float32)
    hb_aug = jnp.concatenate([hb, jnp.ones((L, 1), jnp.float32)], axis=1)

    iota_cl_c = jax.lax.broadcasted_iota(jnp.int32, (C, L), 0)
    iota_cl_l = jax.lax.broadcasted_iota(jnp.int32, (C, L), 1)
    sel0 = (iota_cl_l == (L // C) * iota_cl_c).astype(jnp.float32)
    cb0 = jax.lax.dot_general(
        sel0, hb, (((1,), (0,)), ((), ())),
        preferred_element_type=jnp.float32)

    iota_c = jax.lax.broadcasted_iota(
        jnp.int32, (C, 1), 0).astype(jnp.float32)

    def lloyd(_, carry):
        cb, _, _ = carry
        cpop = jnp.sum(cb, axis=-1, keepdims=True)
        dot = jax.lax.dot_general(
            cb, hb, (((1,), (1,)), ((), ())),
            preferred_element_type=jnp.float32)
        key = (dot * -256.0) + (cpop * 128.0 + iota_c)
        kmin = jnp.min(key, axis=0, keepdims=True)
        onehot_t = (key == kmin).astype(jnp.float32)
        bitsum_aug = jax.lax.dot_general(
            onehot_t, hb_aug, (((1,), (0,)), ((), ())),
            preferred_element_type=jnp.float32)
        bitsum = bitsum_aug[:, :BITS]
        counts = bitsum_aug[:, BITS:]
        newcb = (bitsum / jnp.maximum(counts, 1.0) > 0.5).astype(jnp.float32)
        cb = jnp.where(counts > 0.0, newcb, cb)
        return cb, onehot_t, counts

    init = (cb0, jnp.zeros((C, L), jnp.float32), jnp.zeros((C, 1), jnp.float32))
    _, onehot_t, counts = jax.lax.fori_loop(0, ITERATIONS, lloyd, init)

    factors = 1.0 / jnp.maximum(counts, 1.0)
    q_grouped = jax.lax.dot_general(
        onehot_t, q, (((1,), (0,)), ((), ())),
        preferred_element_type=jnp.float32)
    q_grouped = q_grouped * factors

    k = k_ref[0]
    qk = jax.lax.dot_general(
        q_grouped, k, (((1,), (1,)), ((), ())),
        preferred_element_type=jnp.float32)
    qk = qk + kadd_ref[0, 0][None, :]
    temp = 1.0 / np.sqrt(E).astype(np.float32)
    p = jnp.exp(temp * qk)
    z = jnp.sum(p, axis=-1, keepdims=True)
    v_grouped = jnp.dot(p, v_ref[0], preferred_element_type=jnp.float32)
    vg_ref[0] = jnp.concatenate(
        [v_grouped / z, jnp.zeros((C, SC_ROW - E), jnp.float32)], axis=1)

    assign_row = jnp.sum(onehot_t * iota_c, axis=0, keepdims=True)
    pair = pl.program_id(0).astype(jnp.float32)
    idx_ref[0] = (assign_row + pair * C).astype(jnp.int32)


@jax.jit
def kernel(queries, keys, values, key_lengths_additive, planes):
    N, L, H, E = queries.shape
    NH = N * H
    q = jnp.transpose(queries, (0, 2, 1, 3)).reshape(NH, L, E)
    k = jnp.transpose(keys, (0, 2, 1, 3)).reshape(NH, L, E)
    v = jnp.transpose(values, (0, 2, 1, 3)).reshape(NH, L, E)
    kadd = key_lengths_additive.reshape(N, 1, L)

    out = pl.pallas_call(
        _attn_body,
        grid=(NH,),
        in_specs=[
            pl.BlockSpec((1, L, E), lambda i: (i, 0, 0)),
            pl.BlockSpec((1, L, E), lambda i: (i, 0, 0)),
            pl.BlockSpec((1, L, E), lambda i: (i, 0, 0)),
            pl.BlockSpec((1, 1, L), lambda i: (i // H, 0, 0)),
            pl.BlockSpec((BITS, E + 1), lambda i: (0, 0)),
        ],
        out_specs=[
            pl.BlockSpec((1, CLUSTERS, SC_ROW), lambda i: (i, 0, 0)),
            pl.BlockSpec((1, 1, L), lambda i: (i, 0, 0)),
        ],
        out_shape=[
            jax.ShapeDtypeStruct((NH, CLUSTERS, SC_ROW), jnp.float32),
            jax.ShapeDtypeStruct((NH, 1, L), jnp.int32),
        ],
    )(q, k, v, kadd, planes)
    vg, idx = out

    idx_dst = jnp.transpose(idx.reshape(N, H, L), (0, 2, 1)).reshape(NH * L)
    flat = _sc_broadcast(vg.reshape(NH * CLUSTERS, SC_ROW), idx_dst)
    return flat.reshape(N, L, H, SC_ROW)[..., :E]

# --- scband reference (transcript-rebuilt; emitter-appended) ---
"""Pipeline reference for scband-clustered-attention-86071144612555 (READ-ONLY COPY).

The authoritative reference and input builder live on the scoring server;
editing this copy changes nothing except your own understanding.
"""

import jax, jax.numpy as jnp
import numpy as np

CLUSTERS = 128
ITERATIONS = 10
BITS = 32


def _hash_bits(q, planes):
    # q: [N,H,L,E], planes: [BITS, E+1] (last column is the bias)
    proj = jnp.einsum('nhle,be->nhlb', q, planes[:, :-1]) + planes[:, -1]
    return (proj > 0.0).astype(jnp.float32)  # [N,H,L,BITS]


def _cluster(hb):
    # k-means (Lloyd) in Hamming space over the LSH bit codes.
    N, H, L, B = hb.shape
    idx = (np.arange(CLUSTERS) * L) // CLUSTERS
    cb = hb[:, :, idx, :]  # initial centroids: evenly spaced query hashes
    hpop = jnp.sum(hb, axis=-1)  # [N,H,L]
    assign = None
    counts = None
    for _ in range(ITERATIONS):
        cpop = jnp.sum(cb, axis=-1)  # [N,H,C]
        dot = jnp.einsum('nhlb,nhcb->nhlc', hb, cb)
        # hamming(x, c) = popcount(x) + popcount(c) - 2 * <bits_x, bits_c>
        dist = hpop[..., None] + cpop[:, :, None, :] - 2.0 * dot
        assign = jnp.argmin(dist, axis=-1)  # [N,H,L]
        onehot = jax.nn.one_hot(assign, CLUSTERS, dtype=jnp.float32)
        counts = jnp.sum(onehot, axis=2)  # [N,H,C]
        bitsum = jnp.einsum('nhlc,nhlb->nhcb', onehot, hb)
        newcb = (bitsum / jnp.maximum(counts, 1.0)[..., None] > 0.5).astype(jnp.float32)
        cb = jnp.where((counts > 0.0)[..., None], newcb, cb)
    return assign, counts


def _forward(queries, keys, values, key_add, planes):
    q = jnp.transpose(queries, (0, 2, 1, 3))
    k = jnp.transpose(keys, (0, 2, 1, 3))
    v = jnp.transpose(values, (0, 2, 1, 3))
    N, H, L, E = q.shape
    softmax_temp = 1.0 / np.sqrt(E)
    hb = _hash_bits(jax.lax.stop_gradient(q), planes)
    assign, counts = _cluster(hb)
    assign = jax.lax.stop_gradient(assign)
    counts = jax.lax.stop_gradient(counts)
    # _GroupQueries: aggregate queries per cluster with factors = 1/counts
    onehot = jax.nn.one_hot(assign, CLUSTERS, dtype=q.dtype)
    factors = 1.0 / jnp.maximum(counts, 1.0)
    q_grouped = jnp.einsum('nhlc,nhle->nhce', onehot, q) * factors[..., None]
    qk = jnp.einsum('nhce,nhse->nhcs', q_grouped, k)
    qk = qk + key_add[:, None, None, :]
    a = jax.nn.softmax(softmax_temp * qk, axis=-1)  # dropout is identity in eval
    v_grouped = jnp.einsum('nhcs,nhsd->nhcd', a, v)
    # _BroadcastValues: gather cluster outputs back to each query position
    v_broadcast = jnp.take_along_axis(v_grouped, assign[:, :, :, None], axis=2)
    return jnp.transpose(v_broadcast, (0, 2, 1, 3))  # [N, L, H, E]


def setup_inputs(seed: int = 0):
    key = jax.random.key(seed)
    k1, k2, k3, k4 = jax.random.split(key, 4)
    N, L, H, E = 2, 4096, 12, 64
    return {
        'queries': jax.random.normal(k1, (N, L, H, E), dtype=jnp.float32),
        'keys': jax.random.normal(k2, (N, L, H, E), dtype=jnp.float32),
        'values': jax.random.normal(k3, (N, L, H, E), dtype=jnp.float32),
        'key_lengths_additive': jnp.zeros((N, L), dtype=jnp.float32),
        'planes': jax.random.normal(k4, (BITS, E + 1), dtype=jnp.float32),
    }


def reference(queries, keys, values, key_lengths_additive, planes):
    return _forward(queries, keys, values, key_lengths_additive, planes)

if __name__ == "__main__":
    import jax
    _d = setup_inputs()
    print(jax.jit(kernel)(*tuple(_d.values())))

</pallas_src>

<mosaic_0001>
#map = affine_map<(d0, d1) -> (0, 0)>
#map1 = affine_map<(d0, d1) -> (0)>
module attributes {stable_mosaic.version = 14 : i64} {
  func.func @gather_kernel(%arg0: i32, %arg1: i32, %arg2: memref<3072x128xf32, #tpu.memory_space<hbm>>, %arg3: memref<98304xi32, #tpu.memory_space<hbm>>, %arg4: memref<98304x128xf32, #tpu.memory_space<hbm>>, %arg5: memref<512xi32, #tpu.memory_space<vmem>>, %arg6: memref<512x128xf32, #tpu.memory_space<vmem>>, %arg7: memref<!tpu.dma_semaphore, #tpu.memory_space<semaphore_mem>>) attributes {dimension_semantics = [#tpu.dimension_semantics<core_parallel>, #tpu.dimension_semantics<subcore_parallel>], iteration_bounds = array<i64: 2, 16>, scalar_prefetch = 0 : i64, scratch_operands = 3 : i64, tpu.core_type = #tpu.core_type<sc_vector_subcore>, window_params = [{transform_indices = #map}, {transform_indices = #map1}, {transform_indices = #map}]} {
    %mul3A = arith.constant 2 : i32
    %mul3A_0 = arith.muli %arg1, %mul3A : i32
    %add3A = arith.addi %mul3A_0, %arg0 : i32
    %mul3A_1 = arith.constant 3072 : i32
    %mul3A_2 = arith.muli %add3A, %mul3A_1 : i32
    %add3A_3 = arith.constant 0 : i32
    %add3A_4 = arith.addi %mul3A_2, %add3A_3 : i32
    "tpu.region"() ({
      %run_scoped3A = tpu.sem_alloc : memref<!tpu.dma_semaphore, #tpu.memory_space<semaphore_mem>>
      %dma_start3A_49 = tpu.memref_slice %arg3[%add3A_4] : memref<98304xi32, #tpu.memory_space<hbm>> -> memref<512xi32, #tpu.memory_space<hbm>>
      %dma_start3A_50 = tpu.memref_slice %arg3[%add3A_4] : memref<98304xi32, #tpu.memory_space<hbm>> -> memref<512xi32, #tpu.memory_space<hbm>>
      tpu.enqueue_dma source(%dma_start3A_50 : memref<512xi32, #tpu.memory_space<hbm>>) target(%arg5 : memref<512xi32, #tpu.memory_space<vmem>>) target_semaphore(%run_scoped3A : memref<!tpu.dma_semaphore, #tpu.memory_space<semaphore_mem>>)
      %dma_wait3A_51 = tpu.memref_slice %arg3[%add3A_4] : memref<98304xi32, #tpu.memory_space<hbm>> -> memref<512xi32, #tpu.memory_space<hbm>>
      %dma_wait3A_52 = tpu.memref_slice %arg3[%add3A_4] : memref<98304xi32, #tpu.memory_space<hbm>> -> memref<512xi32, #tpu.memory_space<hbm>>
      tpu.wait_dma2 semaphore(%run_scoped3A : memref<!tpu.dma_semaphore, #tpu.memory_space<semaphore_mem>>) src(%dma_wait3A_52 : memref<512xi32, #tpu.memory_space<hbm>>) dst(%arg5 : memref<512xi32, #tpu.memory_space<vmem>>)
      tpu.yield
    }) : () -> ()
    %dma_start3A = arith.constant 0 : i32
    %dma_start3A_5 = arith.constant 0 : i32
    %dma_start3A_6 = tpu.memref_slice %arg2[%dma_start3A, %dma_start3A_5] : memref<3072x128xf32, #tpu.memory_space<hbm>> -> memref<3072x128xf32, #tpu.memory_space<hbm>>
    tpu.enqueue_indirect_dma source(%dma_start3A_6 : memref<3072x128xf32, #tpu.memory_space<hbm>>) target(%arg6 : memref<512x128xf32, #tpu.memory_space<vmem>>) offsets(%arg5 : memref<512xi32, #tpu.memory_space<vmem>>) semaphore(%arg7 : memref<!tpu.dma_semaphore, #tpu.memory_space<semaphore_mem>>)
    %dma_wait3A = arith.constant 0 : i32
    %dma_wait3A_7 = arith.constant 0 : i32
    %dma_wait3A_8 = tpu.memref_slice %arg2[%dma_wait3A, %dma_wait3A_7] : memref<3072x128xf32, #tpu.memory_space<hbm>> -> memref<3072x128xf32, #tpu.memory_space<hbm>>
    tpu.wait_indirect_dma semaphore(%arg7 : memref<!tpu.dma_semaphore, #tpu.memory_space<semaphore_mem>>) src(%dma_wait3A_8 : memref<3072x128xf32, #tpu.memory_space<hbm>>) dst(%arg6 : memref<512x128xf32, #tpu.memory_space<vmem>>)
    "tpu.region"() ({
      %run_scoped3A = tpu.sem_alloc : memref<!tpu.dma_semaphore, #tpu.memory_space<semaphore_mem>>
      %dma_start3A_49 = arith.constant 0 : i32
      %dma_start3A_50 = tpu.memref_slice %arg4[%add3A_4, %dma_start3A_49] : memref<98304x128xf32, #tpu.memory_space<hbm>> -> memref<512x128xf32, #tpu.memory_space<hbm>>
      %dma_start3A_51 = arith.constant 0 : i32
      %dma_start3A_52 = tpu.memref_slice %arg4[%add3A_4, %dma_start3A_51] : memref<98304x128xf32, #tpu.memory_space<hbm>> -> memref<512x128xf32, #tpu.memory_space<hbm>>
      tpu.enqueue_dma source(%arg6 : memref<512x128xf32, #tpu.memory_space<vmem>>) target(%dma_start3A_52 : memref<512x128xf32, #tpu.memory_space<hbm>>) target_semaphore(%run_scoped3A : memref<!tpu.dma_semaphore, #tpu.memory_space<semaphore_mem>>)
      %dma_wait3A_53 = arith.constant 0 : i32
      %dma_wait3A_54 = tpu.memref_slice %arg4[%add3A_4, %dma_wait3A_53] : memref<98304x128xf32, #tpu.memory_space<hbm>> -> memref<512x128xf32, #tpu.memory_space<hbm>>
      %dma_wait3A_55 = arith.constant 0 : i32
      %dma_wait3A_56 = tpu.memref_slice %arg4[%add3A_4, %dma_wait3A_55] : memref<98304x128xf32, #tpu.memory_space<hbm>> -> memref<512x128xf32, #tpu.memory_space<hbm>>
      tpu.wait_dma2 semaphore(%run_scoped3A : memref<!tpu.dma_semaphore, #tpu.memory_space<semaphore_mem>>) src(%arg6 : memref<512x128xf32, #tpu.memory_space<vmem>>) dst(%dma_wait3A_56 : memref<512x128xf32, #tpu.memory_space<hbm>>)
      tpu.yield
    }) : () -> ()
    %add3A_9 = arith.constant 512 : i32
    %add3A_10 = arith.addi %mul3A_2, %add3A_9 : i32
    "tpu.region"() ({
      %run_scoped3A = tpu.sem_alloc : memref<!tpu.dma_semaphore, #tpu.memory_space<semaphore_mem>>
      %dma_start3A_49 = tpu.memref_slice %arg3[%add3A_10] : memref<98304xi32, #tpu.memory_space<hbm>> -> memref<512xi32, #tpu.memory_space<hbm>>
      %dma_start3A_50 = tpu.memref_slice %arg3[%add3A_10] : memref<98304xi32, #tpu.memory_space<hbm>> -> memref<512xi32, #tpu.memory_space<hbm>>
      tpu.enqueue_dma source(%dma_start3A_50 : memref<512xi32, #tpu.memory_space<hbm>>) target(%arg5 : memref<512xi32, #tpu.memory_space<vmem>>) target_semaphore(%run_scoped3A : memref<!tpu.dma_semaphore, #tpu.memory_space<semaphore_mem>>)
      %dma_wait3A_51 = tpu.memref_slice %arg3[%add3A_10] : memref<98304xi32, #tpu.memory_space<hbm>> -> memref<512xi32, #tpu.memory_space<hbm>>
      %dma_wait3A_52 = tpu.memref_slice %arg3[%add3A_10] : memref<98304xi32, #tpu.memory_space<hbm>> -> memref<512xi32, #tpu.memory_space<hbm>>
      tpu.wait_dma2 semaphore(%run_scoped3A : memref<!tpu.dma_semaphore, #tpu.memory_space<semaphore_mem>>) src(%dma_wait3A_52 : memref<512xi32, #tpu.memory_space<hbm>>) dst(%arg5 : memref<512xi32, #tpu.memory_space<vmem>>)
      tpu.yield
    }) : () -> ()
    %dma_start3A_11 = arith.constant 0 : i32
    %dma_start3A_12 = arith.constant 0 : i32
    %dma_start3A_13 = tpu.memref_slice %arg2[%dma_start3A_11, %dma_start3A_12] : memref<3072x128xf32, #tpu.memory_space<hbm>> -> memref<3072x128xf32, #tpu.memory_space<hbm>>
    tpu.enqueue_indirect_dma source(%dma_start3A_13 : memref<3072x128xf32, #tpu.memory_space<hbm>>) target(%arg6 : memref<512x128xf32, #tpu.memory_space<vmem>>) offsets(%arg5 : memref<512xi32, #tpu.memory_space<vmem>>) semaphore(%arg7 : memref<!tpu.dma_semaphore, #tpu.memory_space<semaphore_mem>>)
    %dma_wait3A_14 = arith.constant 0 : i32
    %dma_wait3A_15 = arith.constant 0 : i32
    %dma_wait3A_16 = tpu.memref_slice %arg2[%dma_wait3A_14, %dma_wait3A_15] : memref<3072x128xf32, #tpu.memory_space<hbm>> -> memref<3072x128xf32, #tpu.memory_space<hbm>>
    tpu.wait_indirect_dma semaphore(%arg7 : memref<!tpu.dma_semaphore, #tpu.memory_space<semaphore_mem>>) src(%dma_wait3A_16 : memref<3072x128xf32, #tpu.memory_space<hbm>>) dst(%arg6 : memref<512x128xf32, #tpu.memory_space<vmem>>)
    "tpu.region"() ({
      %run_scoped3A = tpu.sem_alloc : memref<!tpu.dma_semaphore, #tpu.memory_space<semaphore_mem>>
      %dma_start3A_49 = arith.constant 0 : i32
      %dma_start3A_50 = tpu.memref_slice %arg4[%add3A_10, %dma_start3A_49] : memref<98304x128xf32, #tpu.memory_space<hbm>> -> memref<512x128xf32, #tpu.memory_space<hbm>>
      %dma_start3A_51 = arith.constant 0 : i32
      %dma_start3A_52 = tpu.memref_slice %arg4[%add3A_10, %dma_start3A_51] : memref<98304x128xf32, #tpu.memory_space<hbm>> -> memref<512x128xf32, #tpu.memory_space<hbm>>
      tpu.enqueue_dma source(%arg6 : memref<512x128xf32, #tpu.memory_space<vmem>>) target(%dma_start3A_52 : memref<512x128xf32, #tpu.memory_space<hbm>>) target_semaphore(%run_scoped3A : memref<!tpu.dma_semaphore, #tpu.memory_space<semaphore_mem>>)
      %dma_wait3A_53 = arith.constant 0 : i32
      %dma_wait3A_54 = tpu.memref_slice %arg4[%add3A_10, %dma_wait3A_53] : memref<98304x128xf32, #tpu.memory_space<hbm>> -> memref<512x128xf32, #tpu.memory_space<hbm>>
      %dma_wait3A_55 = arith.constant 0 : i32
      %dma_wait3A_56 = tpu.memref_slice %arg4[%add3A_10, %dma_wait3A_55] : memref<98304x128xf32, #tpu.memory_space<hbm>> -> memref<512x128xf32, #tpu.memory_space<hbm>>
      tpu.wait_dma2 semaphore(%run_scoped3A : memref<!tpu.dma_semaphore, #tpu.memory_space<semaphore_mem>>) src(%arg6 : memref<512x128xf32, #tpu.memory_space<vmem>>) dst(%dma_wait3A_56 : memref<512x128xf32, #tpu.memory_space<hbm>>)
      tpu.yield
    }) : () -> ()
    %add3A_17 = arith.constant 1024 : i32
    %add3A_18 = arith.addi %mul3A_2, %add3A_17 : i32
    "tpu.region"() ({
      %run_scoped3A = tpu.sem_alloc : memref<!tpu.dma_semaphore, #tpu.memory_space<semaphore_mem>>
      %dma_start3A_49 = tpu.memref_slice %arg3[%add3A_18] : memref<98304xi32, #tpu.memory_space<hbm>> -> memref<512xi32, #tpu.memory_space<hbm>>
      %dma_start3A_50 = tpu.memref_slice %arg3[%add3A_18] : memref<98304xi32, #tpu.memory_space<hbm>> -> memref<512xi32, #tpu.memory_space<hbm>>
      tpu.enqueue_dma source(%dma_start3A_50 : memref<512xi32, #tpu.memory_space<hbm>>) target(%arg5 : memref<512xi32, #tpu.memory_space<vmem>>) target_semaphore(%run_scoped3A : memref<!tpu.dma_semaphore, #tpu.memory_space<semaphore_mem>>)
      %dma_wait3A_51 = tpu.memref_slice %arg3[%add3A_18] : memref<98304xi32, #tpu.memory_space<hbm>> -> memref<512xi32, #tpu.memory_space<hbm>>
      %dma_wait3A_52 = tpu.memref_slice %arg3[%add3A_18] : memref<98304xi32, #tpu.memory_space<hbm>> -> memref<512xi32, #tpu.memory_space<hbm>>
      tpu.wait_dma2 semaphore(%run_scoped3A : memref<!tpu.dma_semaphore, #tpu.memory_space<semaphore_mem>>) src(%dma_wait3A_52 : memref<512xi32, #tpu.memory_space<hbm>>) dst(%arg5 : memref<512xi32, #tpu.memory_space<vmem>>)
      tpu.yield
    }) : () -> ()
    %dma_start3A_19 = arith.constant 0 : i32
    %dma_start3A_20 = arith.constant 0 : i32
    %dma_start3A_21 = tpu.memref_slice %arg2[%dma_start3A_19, %dma_start3A_20] : memref<3072x128xf32, #tpu.memory_space<hbm>> -> memref<3072x128xf32, #tpu.memory_space<hbm>>
    tpu.enqueue_indirect_dma source(%dma_start3A_21 : memref<3072x128xf32, #tpu.memory_space<hbm>>) target(%arg6 : memref<512x128xf32, #tpu.memory_space<vmem>>) offsets(%arg5 : memref<512xi32, #tpu.memory_space<vmem>>) semaphore(%arg7 : memref<!tpu.dma_semaphore, #tpu.memory_space<semaphore_mem>>)
    %dma_wait3A_22 = arith.constant 0 : i32
    %dma_wait3A_23 = arith.constant 0 : i32
    %dma_wait3A_24 = tpu.memref_slice %arg2[%dma_wait3A_22, %dma_wait3A_23] : memref<3072x128xf32, #tpu.memory_space<hbm>> -> memref<3072x128xf32, #tpu.memory_space<hbm>>
    tpu.wait_indirect_dma semaphore(%arg7 : memref<!tpu.dma_semaphore, #tpu.memory_space<semaphore_mem>>) src(%dma_wait3A_24 : memref<3072x128xf32, #tpu.memory_space<hbm>>) dst(%arg6 : memref<512x128xf32, #tpu.memory_space<vmem>>)
    "tpu.region"() ({
      %run_scoped3A = tpu.sem_alloc : memref<!tpu.dma_semaphore, #tpu.memory_space<semaphore_mem>>
      %dma_start3A_49 = arith.constant 0 : i32
      %dma_start3A_50 = tpu.memref_slice %arg4[%add3A_18, %dma_start3A_49] : memref<98304x128xf32, #tpu.memory_space<hbm>> -> memref<512x128xf32, #tpu.memory_space<hbm>>
      %dma_start3A_51 = arith.constant 0 : i32
      %dma_start3A_52 = tpu.memref_slice %arg4[%add3A_18, %dma_start3A_51] : memref<98304x128xf32, #tpu.memory_space<hbm>> -> memref<512x128xf32, #tpu.memory_space<hbm>>
      tpu.enqueue_dma source(%arg6 : memref<512x128xf32, #tpu.memory_space<vmem>>) target(%dma_start3A_52 : memref<512x128xf32, #tpu.memory_space<hbm>>) target_semaphore(%run_scoped3A : memref<!tpu.dma_semaphore, #tpu.memory_space<semaphore_mem>>)
      %dma_wait3A_53 = arith.constant 0 : i32
      %dma_wait3A_54 = tpu.memref_slice %arg4[%add3A_18, %dma_wait3A_53] : memref<98304x128xf32, #tpu.memory_space<hbm>> -> memref<512x128xf32, #tpu.memory_space<hbm>>
      %dma_wait3A_55 = arith.constant 0 : i32
      %dma_wait3A_56 = tpu.memref_slice %arg4[%add3A_18, %dma_wait3A_55] : memref<98304x128xf32, #tpu.memory_space<hbm>> -> memref<512x128xf32, #tpu.memory_space<hbm>>
      tpu.wait_dma2 semaphore(%run_scoped3A : memref<!tpu.dma_semaphore, #tpu.memory_space<semaphore_mem>>) src(%arg6 : memref<512x128xf32, #tpu.memory_space<vmem>>) dst(%dma_wait3A_56 : memref<512x128xf32, #tpu.memory_space<hbm>>)
      tpu.yield
    }) : () -> ()
    %add3A_25 = arith.constant 1536 : i32
    %add3A_26 = arith.addi %mul3A_2, %add3A_25 : i32
    "tpu.region"() ({
      %run_scoped3A = tpu.sem_alloc : memref<!tpu.dma_semaphore, #tpu.memory_space<semaphore_mem>>
      %dma_start3A_49 = tpu.memref_slice %arg3[%add3A_26] : memref<98304xi32, #tpu.memory_space<hbm>> -> memref<512xi32, #tpu.memory_space<hbm>>
      %dma_start3A_50 = tpu.memref_slice %arg3[%add3A_26] : memref<98304xi32, #tpu.memory_space<hbm>> -> memref<512xi32, #tpu.memory_space<hbm>>
      tpu.enqueue_dma source(%dma_start3A_50 : memref<512xi32, #tpu.memory_space<hbm>>) target(%arg5 : memref<512xi32, #tpu.memory_space<vmem>>) target_semaphore(%run_scoped3A : memref<!tpu.dma_semaphore, #tpu.memory_space<semaphore_mem>>)
      %dma_wait3A_51 = tpu.memref_slice %arg3[%add3A_26] : memref<98304xi32, #tpu.memory_space<hbm>> -> memref<512xi32, #tpu.memory_space<hbm>>
      %dma_wait3A_52 = tpu.memref_slice %arg3[%add3A_26] : memref<98304xi32, #tpu.memory_space<hbm>> -> memref<512xi32, #tpu.memory_space<hbm>>
      tpu.wait_dma2 semaphore(%run_scoped3A : memref<!tpu.dma_semaphore, #tpu.memory_space<semaphore_mem>>) src(%dma_wait3A_52 : memref<512xi32, #tpu.memory_space<hbm>>) dst(%arg5 : memref<512xi32, #tpu.memory_space<vmem>>)
      tpu.yield
    }) : () -> ()
    %dma_start3A_27 = arith.constant 0 : i32
    %dma_start3A_28 = arith.constant 0 : i32
    %dma_start3A_29 = tpu.memref_slice %arg2[%dma_start3A_27, %dma_start3A_28] : memref<3072x128xf32, #tpu.memory_space<hbm>> -> memref<3072x128xf32, #tpu.memory_space<hbm>>
    tpu.enqueue_indirect_dma source(%dma_start3A_29 : memref<3072x128xf32, #tpu.memory_space<hbm>>) target(%arg6 : memref<512x128xf32, #tpu.memory_space<vmem>>) offsets(%arg5 : memref<512xi32, #tpu.memory_space<vmem>>) semaphore(%arg7 : memref<!tpu.dma_semaphore, #tpu.memory_space<semaphore_mem>>)
    %dma_wait3A_30 = arith.constant 0 : i32
    %dma_wait3A_31 = arith.constant 0 : i32
    %dma_wait3A_32 = tpu.memref_slice %arg2[%dma_wait3A_30, %dma_wait3A_31] : memref<3072x128xf32, #tpu.memory_space<hbm>> -> memref<3072x128xf32, #tpu.memory_space<hbm>>
    tpu.wait_indirect_dma semaphore(%arg7 : memref<!tpu.dma_semaphore, #tpu.memory_space<semaphore_mem>>) src(%dma_wait3A_32 : memref<3072x128xf32, #tpu.memory_space<hbm>>) dst(%arg6 : memref<512x128xf32, #tpu.memory_space<vmem>>)
    "tpu.region"() ({
      %run_scoped3A = tpu.sem_alloc : memref<!tpu.dma_semaphore, #tpu.memory_space<semaphore_mem>>
      %dma_start3A_49 = arith.constant 0 : i32
      %dma_start3A_50 = tpu.memref_slice %arg4[%add3A_26, %dma_start3A_49] : memref<98304x128xf32, #tpu.memory_space<hbm>> -> memref<512x128xf32, #tpu.memory_space<hbm>>
      %dma_start3A_51 = arith.constant 0 : i32
      %dma_start3A_52 = tpu.memref_slice %arg4[%add3A_26, %dma_start3A_51] : memref<98304x128xf32, #tpu.memory_space<hbm>> -> memref<512x128xf32, #tpu.memory_space<hbm>>
      tpu.enqueue_dma source(%arg6 : memref<512x128xf32, #tpu.memory_space<vmem>>) target(%dma_start3A_52 : memref<512x128xf32, #tpu.memory_space<hbm>>) target_semaphore(%run_scoped3A : memref<!tpu.dma_semaphore, #tpu.memory_space<semaphore_mem>>)
      %dma_wait3A_53 = arith.constant 0 : i32
      %dma_wait3A_54 = tpu.memref_slice %arg4[%add3A_26, %dma_wait3A_53] : memref<98304x128xf32, #tpu.memory_space<hbm>> -> memref<512x128xf32, #tpu.memory_space<hbm>>
      %dma_wait3A_55 = arith.constant 0 : i32
      %dma_wait3A_56 = tpu.memref_slice %arg4[%add3A_26, %dma_wait3A_55] : memref<98304x128xf32, #tpu.memory_space<hbm>> -> memref<512x128xf32, #tpu.memory_space<hbm>>
      tpu.wait_dma2 semaphore(%run_scoped3A : memref<!tpu.dma_semaphore, #tpu.memory_space<semaphore_mem>>) src(%arg6 : memref<512x128xf32, #tpu.memory_space<vmem>>) dst(%dma_wait3A_56 : memref<512x128xf32, #tpu.memory_space<hbm>>)
      tpu.yield
    }) : () -> ()
    %add3A_33 = arith.constant 2048 : i32
    %add3A_34 = arith.addi %mul3A_2, %add3A_33 : i32
    "tpu.region"() ({
      %run_scoped3A = tpu.sem_alloc : memref<!tpu.dma_semaphore, #tpu.memory_space<semaphore_mem>>
      %dma_start3A_49 = tpu.memref_slice %arg3[%add3A_34] : memref<98304xi32, #tpu.memory_space<hbm>> -> memref<512xi32, #tpu.memory_space<hbm>>
      %dma_start3A_50 = tpu.memref_slice %arg3[%add3A_34] : memref<98304xi32, #tpu.memory_space<hbm>> -> memref<512xi32, #tpu.memory_space<hbm>>
      tpu.enqueue_dma source(%dma_start3A_50 : memref<512xi32, #tpu.memory_space<hbm>>) target(%arg5 : memref<512xi32, #tpu.memory_space<vmem>>) target_semaphore(%run_scoped3A : memref<!tpu.dma_semaphore, #tpu.memory_space<semaphore_mem>>)
      %dma_wait3A_51 = tpu.memref_slice %arg3[%add3A_34] : memref<98304xi32, #tpu.memory_space<hbm>> -> memref<512xi32, #tpu.memory_space<hbm>>
      %dma_wait3A_52 = tpu.memref_slice %arg3[%add3A_34] : memref<98304xi32, #tpu.memory_space<hbm>> -> memref<512xi32, #tpu.memory_space<hbm>>
      tpu.wait_dma2 semaphore(%run_scoped3A : memref<!tpu.dma_semaphore, #tpu.memory_space<semaphore_mem>>) src(%dma_wait3A_52 : memref<512xi32, #tpu.memory_space<hbm>>) dst(%arg5 : memref<512xi32, #tpu.memory_space<vmem>>)
      tpu.yield
    }) : () -> ()
    %dma_start3A_35 = arith.constant 0 : i32
    %dma_start3A_36 = arith.constant 0 : i32
    %dma_start3A_37 = tpu.memref_slice %arg2[%dma_start3A_35, %dma_start3A_36] : memref<3072x128xf32, #tpu.memory_space<hbm>> -> memref<3072x128xf32, #tpu.memory_space<hbm>>
    tpu.enqueue_indirect_dma source(%dma_start3A_37 : memref<3072x128xf32, #tpu.memory_space<hbm>>) target(%arg6 : memref<512x128xf32, #tpu.memory_space<vmem>>) offsets(%arg5 : memref<512xi32, #tpu.memory_space<vmem>>) semaphore(%arg7 : memref<!tpu.dma_semaphore, #tpu.memory_space<semaphore_mem>>)
    %dma_wait3A_38 = arith.constant 0 : i32
    %dma_wait3A_39 = arith.constant 0 : i32
    %dma_wait3A_40 = tpu.memref_slice %arg2[%dma_wait3A_38, %dma_wait3A_39] : memref<3072x128xf32, #tpu.memory_space<hbm>> -> memref<3072x128xf32, #tpu.memory_space<hbm>>
    tpu.wait_indirect_dma semaphore(%arg7 : memref<!tpu.dma_semaphore, #tpu.memory_space<semaphore_mem>>) src(%dma_wait3A_40 : memref<3072x128xf32, #tpu.memory_space<hbm>>) dst(%arg6 : memref<512x128xf32, #tpu.memory_space<vmem>>)
    "tpu.region"() ({
      %run_scoped3A = tpu.sem_alloc : memref<!tpu.dma_semaphore, #tpu.memory_space<semaphore_mem>>
      %dma_start3A_49 = arith.constant 0 : i32
      %dma_start3A_50 = tpu.memref_slice %arg4[%add3A_34, %dma_start3A_49] : memref<98304x128xf32, #tpu.memory_space<hbm>> -> memref<512x128xf32, #tpu.memory_space<hbm>>
      %dma_start3A_51 = arith.constant 0 : i32
      %dma_start3A_52 = tpu.memref_slice %arg4[%add3A_34, %dma_start3A_51] : memref<98304x128xf32, #tpu.memory_space<hbm>> -> memref<512x128xf32, #tpu.memory_space<hbm>>
      tpu.enqueue_dma source(%arg6 : memref<512x128xf32, #tpu.memory_space<vmem>>) target(%dma_start3A_52 : memref<512x128xf32, #tpu.memory_space<hbm>>) target_semaphore(%run_scoped3A : memref<!tpu.dma_semaphore, #tpu.memory_space<semaphore_mem>>)
      %dma_wait3A_53 = arith.constant 0 : i32
      %dma_wait3A_54 = tpu.memref_slice %arg4[%add3A_34, %dma_wait3A_53] : memref<98304x128xf32, #tpu.memory_space<hbm>> -> memref<512x128xf32, #tpu.memory_space<hbm>>
      %dma_wait3A_55 = arith.constant 0 : i32
      %dma_wait3A_56 = tpu.memref_slice %arg4[%add3A_34, %dma_wait3A_55] : memref<98304x128xf32, #tpu.memory_space<hbm>> -> memref<512x128xf32, #tpu.memory_space<hbm>>
      tpu.wait_dma2 semaphore(%run_scoped3A : memref<!tpu.dma_semaphore, #tpu.memory_space<semaphore_mem>>) src(%arg6 : memref<512x128xf32, #tpu.memory_space<vmem>>) dst(%dma_wait3A_56 : memref<512x128xf32, #tpu.memory_space<hbm>>)
      tpu.yield
    }) : () -> ()
    %add3A_41 = arith.constant 2560 : i32
    %add3A_42 = arith.addi %mul3A_2, %add3A_41 : i32
    "tpu.region"() ({
      %run_scoped3A = tpu.sem_alloc : memref<!tpu.dma_semaphore, #tpu.memory_space<semaphore_mem>>
      %dma_start3A_49 = tpu.memref_slice %arg3[%add3A_42] : memref<98304xi32, #tpu.memory_space<hbm>> -> memref<512xi32, #tpu.memory_space<hbm>>
      %dma_start3A_50 = tpu.memref_slice %arg3[%add3A_42] : memref<98304xi32, #tpu.memory_space<hbm>> -> memref<512xi32, #tpu.memory_space<hbm>>
      tpu.enqueue_dma source(%dma_start3A_50 : memref<512xi32, #tpu.memory_space<hbm>>) target(%arg5 : memref<512xi32, #tpu.memory_space<vmem>>) target_semaphore(%run_scoped3A : memref<!tpu.dma_semaphore, #tpu.memory_space<semaphore_mem>>)
      %dma_wait3A_51 = tpu.memref_slice %arg3[%add3A_42] : memref<98304xi32, #tpu.memory_space<hbm>> -> memref<512xi32, #tpu.memory_space<hbm>>
      %dma_wait3A_52 = tpu.memref_slice %arg3[%add3A_42] : memref<98304xi32, #tpu.memory_space<hbm>> -> memref<512xi32, #tpu.memory_space<hbm>>
      tpu.wait_dma2 semaphore(%run_scoped3A : memref<!tpu.dma_semaphore, #tpu.memory_space<semaphore_mem>>) src(%dma_wait3A_52 : memref<512xi32, #tpu.memory_space<hbm>>) dst(%arg5 : memref<512xi32, #tpu.memory_space<vmem>>)
      tpu.yield
    }) : () -> ()
    %dma_start3A_43 = arith.constant 0 : i32
    %dma_start3A_44 = arith.constant 0 : i32
    %dma_start3A_45 = tpu.memref_slice %arg2[%dma_start3A_43, %dma_start3A_44] : memref<3072x128xf32, #tpu.memory_space<hbm>> -> memref<3072x128xf32, #tpu.memory_space<hbm>>
    tpu.enqueue_indirect_dma source(%dma_start3A_45 : memref<3072x128xf32, #tpu.memory_space<hbm>>) target(%arg6 : memref<512x128xf32, #tpu.memory_space<vmem>>) offsets(%arg5 : memref<512xi32, #tpu.memory_space<vmem>>) semaphore(%arg7 : memref<!tpu.dma_semaphore, #tpu.memory_space<semaphore_mem>>)
    %dma_wait3A_46 = arith.constant 0 : i32
    %dma_wait3A_47 = arith.constant 0 : i32
    %dma_wait3A_48 = tpu.memref_slice %arg2[%dma_wait3A_46, %dma_wait3A_47] : memref<3072x128xf32, #tpu.memory_space<hbm>> -> memref<3072x128xf32, #tpu.memory_space<hbm>>
    tpu.wait_indirect_dma semaphore(%arg7 : memref<!tpu.dma_semaphore, #tpu.memory_space<semaphore_mem>>) src(%dma_wait3A_48 : memref<3072x128xf32, #tpu.memory_space<hbm>>) dst(%arg6 : memref<512x128xf32, #tpu.memory_space<vmem>>)
    "tpu.region"() ({
      %run_scoped3A = tpu.sem_alloc : memref<!tpu.dma_semaphore, #tpu.memory_space<semaphore_mem>>
      %dma_start3A_49 = arith.constant 0 : i32
      %dma_start3A_50 = tpu.memref_slice %arg4[%add3A_42, %dma_start3A_49] : memref<98304x128xf32, #tpu.memory_space<hbm>> -> memref<512x128xf32, #tpu.memory_space<hbm>>
      %dma_start3A_51 = arith.constant 0 : i32
      %dma_start3A_52 = tpu.memref_slice %arg4[%add3A_42, %dma_start3A_51] : memref<98304x128xf32, #tpu.memory_space<hbm>> -> memref<512x128xf32, #tpu.memory_space<hbm>>
      tpu.enqueue_dma source(%arg6 : memref<512x128xf32, #tpu.memory_space<vmem>>) target(%dma_start3A_52 : memref<512x128xf32, #tpu.memory_space<hbm>>) target_semaphore(%run_scoped3A : memref<!tpu.dma_semaphore, #tpu.memory_space<semaphore_mem>>)
      %dma_wait3A_53 = arith.constant 0 : i32
      %dma_wait3A_54 = tpu.memref_slice %arg4[%add3A_42, %dma_wait3A_53] : memref<98304x128xf32, #tpu.memory_space<hbm>> -> memref<512x128xf32, #tpu.memory_space<hbm>>
      %dma_wait3A_55 = arith.constant 0 : i32
      %dma_wait3A_56 = tpu.memref_slice %arg4[%add3A_42, %dma_wait3A_55] : memref<98304x128xf32, #tpu.memory_space<hbm>> -> memref<512x128xf32, #tpu.memory_space<hbm>>
      tpu.wait_dma2 semaphore(%run_scoped3A : memref<!tpu.dma_semaphore, #tpu.memory_space<semaphore_mem>>) src(%arg6 : memref<512x128xf32, #tpu.memory_space<vmem>>) dst(%dma_wait3A_56 : memref<512x128xf32, #tpu.memory_space<hbm>>)
      tpu.yield
    }) : () -> ()
    return
  }
}

module attributes {stable_mosaic.version = 14 : i64} {
  func.func @_attn_body(%arg0: i32, %arg1: memref<1x4096x64xf32, #tpu.memory_space<vmem>>, %arg2: memref<1x4096x64xf32, #tpu.memory_space<vmem>>, %arg3: memref<1x4096x64xf32, #tpu.memory_space<vmem>>, %arg4: memref<1x1x4096xf32, #tpu.memory_space<vmem>>, %arg5: memref<32x65xf32, #tpu.memory_space<vmem>>, %arg6: memref<1x128x128xf32, #tpu.memory_space<vmem>>, %arg7: memref<1x1x4096xi32, #tpu.memory_space<vmem>>) attributes {dimension_semantics = [#tpu.dimension_semantics<arbitrary>], iteration_bounds = array<i64: 24>, scalar_prefetch = 0 : i64, scratch_operands = 0 : i64, tpu.core_type = #tpu.core_type<tc>, window_params = [{transform_indices = @transform_0, window_bounds = array<i64: 1, 4096, 64>}, {transform_indices = @transform_1, window_bounds = array<i64: 1, 4096, 64>}, {transform_indices = @transform_2, window_bounds = array<i64: 1, 4096, 64>}, {transform_indices = @transform_3, window_bounds = array<i64: 1, 1, 4096>}, {pipeline_mode = #tpu.pipeline_mode<synchronous>, transform_indices = @transform_4, window_bounds = array<i64: 32, 65>}, {transform_indices = @transform_5, window_bounds = array<i64: 1, 128, 128>}, {transform_indices = @transform_6, window_bounds = array<i64: 1, 1, 4096>}]} {
    %get3A = arith.constant 0 : index
    %get3A_0 = arith.constant 0 : index
    %get3A_1 = arith.constant 0 : index
    %get3A_2 = vector.load %arg1[%get3A, %get3A_0, %get3A_1] : memref<1x4096x64xf32, #tpu.memory_space<vmem>>, vector<1x4096x64xf32>
    %get3A_3 = vector.shape_cast %get3A_2 : vector<1x4096x64xf32> to vector<4096x64xf32>
    %get3A_4 = arith.constant 0 : index
    %get3A_5 = arith.constant 0 : index
    %get3A_6 = vector.load %arg5[%get3A_4, %get3A_5] : memref<32x65xf32, #tpu.memory_space<vmem>>, vector<32x64xf32>
    %get3A_7 = arith.constant 0 : index
    %get3A_8 = arith.constant 64 : index
    %get3A_9 = vector.load %arg5[%get3A_7, %get3A_8] : memref<32x65xf32, #tpu.memory_space<vmem>>, vector<32x1xf32>
    %get3A_10 = vector.shape_cast %get3A_9 : vector<32x1xf32> to vector<32xf32>
    %transpose3A = tpu.transpose %get3A_6, [1, 0] : vector<32x64xf32> -> vector<64x32xf32>
    %dot_general3A = arith.constant dense<0.000000e+00> : vector<4096x32xf32>
    %dot_general3A_11 = tpu.matmul %get3A_3, %transpose3A, %dot_general3A {dimension_numbers = #tpu.dot_dimension_numbers<[1], [0], [0], [1], [0, 0, 1, 1], [], []>, transpose_lhs_hint = false} : vector<4096x64xf32>, vector<64x32xf32>, vector<4096x32xf32> -> vector<4096x32xf32>
    %broadcast_in_dim3A = vector.shape_cast %get3A_10 : vector<32xf32> to vector<1x32xf32>
    %add3A = vector.broadcast %broadcast_in_dim3A : vector<1x32xf32> to vector<4096x32xf32>
    %add3A_12 = arith.addf %dot_general3A_11, %add3A : vector<4096x32xf32>
    %gt3A = arith.constant 0.000000e+00 : f32
    %gt3A_13 = vector.broadcast %gt3A : f32 to vector<4096x32xf32>
    %gt3A_14 = arith.cmpf ogt, %add3A_12, %gt3A_13 : vector<4096x32xf32>
    %convert_element_type3A = arith.extui %gt3A_14 : vector<4096x32xi1> to vector<4096x32xi32>
    %convert_element_type3A_15 = arith.sitofp %convert_element_type3A : vector<4096x32xi32> to vector<4096x32xf32>
    %broadcast_in_dim3A_16 = arith.constant 1.000000e+00 : f32
    %broadcast_in_dim3A_17 = vector.broadcast %broadcast_in_dim3A_16 : f32 to vector<4096x1xf32>
    %concatenate3A = tpu.concatenate %convert_element_type3A_15, %broadcast_in_dim3A_17 in 1 : vector<4096x32xf32>, vector<4096x1xf32> -> vector<4096x33xf32>
    %iota3A = tpu.iota {dimensions = array<i32: 0>} : vector<128x4096xi32>
    %iota3A_18 = tpu.iota {dimensions = array<i32: 1>} : vector<128x4096xi32>
    %mul3A = arith.constant 32 : i32
    %mul3A_19 = vector.broadcast %mul3A : i32 to vector<128x4096xi32>
    %mul3A_20 = arith.muli %mul3A_19, %iota3A : vector<128x4096xi32>
    %eq3A = arith.cmpi eq, %iota3A_18, %mul3A_20 : vector<128x4096xi32>
    %convert_element_type3A_21 = arith.extui %eq3A : vector<128x4096xi1> to vector<128x4096xi32>
    %convert_element_type3A_22 = arith.sitofp %convert_element_type3A_21 : vector<128x4096xi32> to vector<128x4096xf32>
    %dot_general3A_23 = arith.constant dense<0.000000e+00> : vector<128x32xf32>
    %dot_general3A_24 = tpu.matmul %convert_element_type3A_22, %convert_element_type3A_15, %dot_general3A_23 {dimension_numbers = #tpu.dot_dimension_numbers<[1], [0], [0], [1], [0, 0, 1, 1], [], []>, transpose_lhs_hint = false} : vector<128x4096xf32>, vector<4096x32xf32>, vector<128x32xf32> -> vector<128x32xf32>
    %iota3A_25 = tpu.iota {dimensions = array<i32: 0>} : vector<128x1xi32>
    %convert_element_type3A_26 = arith.sitofp %iota3A_25 : vector<128x1xi32> to vector<128x1xf32>
    %broadcast_in_dim3A_27 = arith.constant 0.000000e+00 : f32
    %broadcast_in_dim3A_28 = vector.broadcast %broadcast_in_dim3A_27 : f32 to vector<128x4096xf32>
    %broadcast_in_dim3A_29 = arith.constant 0.000000e+00 : f32
    %broadcast_in_dim3A_30 = vector.broadcast %broadcast_in_dim3A_29 : f32 to vector<128x1xf32>
    %scan3A = arith.constant 0 : i32
    %scan3A_31 = arith.constant 10 : i32
    %scan3A_32 = arith.addi %scan3A, %scan3A_31 : i32
    %scan3A_33 = arith.constant 1 : i32
    %scan3A_34:3 = scf.for %scan3A_97 = %scan3A to %scan3A_32 step %scan3A_33 iter_args(%scan3A_98 = %dot_general3A_24, %scan3A_99 = %broadcast_in_dim3A_28, %scan3A_100 = %broadcast_in_dim3A_30) -> (vector<128x32xf32>, vector<128x4096xf32>, vector<128x1xf32>)  : i32 {
      %reduce_sum3A_101 = arith.constant dense<0.000000e+00> : vector<128xf32>
      %reduce_sum3A_102 = vector.multi_reduction <add>, %scan3A_98, %reduce_sum3A_101 [1] : vector<128x32xf32> to vector<128xf32>
      %broadcast_in_dim3A_103 = vector.shape_cast %reduce_sum3A_102 : vector<128xf32> to vector<128x1xf32>
      %dot_general3A_104 = arith.constant dense<0.000000e+00> : vector<128x4096xf32>
      %dot_general3A_105 = tpu.matmul %scan3A_98, %convert_element_type3A_15, %dot_general3A_104 {dimension_numbers = #tpu.dot_dimension_numbers<[1], [1], [0], [0], [0, 0, 1, 0], [], []>, transpose_lhs_hint = false} : vector<128x32xf32>, vector<4096x32xf32>, vector<128x4096xf32> -> vector<128x4096xf32>
      %mul3A_106 = arith.constant -2.560000e+02 : f32
      %mul3A_107 = vector.broadcast %mul3A_106 : f32 to vector<128x4096xf32>
      %mul3A_108 = arith.mulf %dot_general3A_105, %mul3A_107 : vector<128x4096xf32>
      %mul3A_109 = arith.constant 1.280000e+02 : f32
      %mul3A_110 = vector.broadcast %mul3A_109 : f32 to vector<128x1xf32>
      %mul3A_111 = arith.mulf %broadcast_in_dim3A_103, %mul3A_110 : vector<128x1xf32>
      %add3A_112 = arith.addf %mul3A_111, %convert_element_type3A_26 : vector<128x1xf32>
      %add3A_113 = vector.broadcast %add3A_112 : vector<128x1xf32> to vector<128x4096xf32>
      %add3A_114 = arith.addf %mul3A_108, %add3A_113 : vector<128x4096xf32>
      %reduce_min3A = arith.constant dense<0x7F800000> : vector<4096xf32>
      %reduce_min3A_115 = vector.multi_reduction <minimumf>, %add3A_114, %reduce_min3A [0] : vector<128x4096xf32> to vector<4096xf32>
      %broadcast_in_dim3A_116 = vector.shape_cast %reduce_min3A_115 : vector<4096xf32> to vector<1x4096xf32>
      %eq3A_117 = vector.broadcast %broadcast_in_dim3A_116 : vector<1x4096xf32> to vector<128x4096xf32>
      %eq3A_118 = arith.cmpf oeq, %add3A_114, %eq3A_117 : vector<128x4096xf32>
      %convert_element_type3A_119 = arith.extui %eq3A_118 : vector<128x4096xi1> to vector<128x4096xi32>
      %convert_element_type3A_120 = arith.sitofp %convert_element_type3A_119 : vector<128x4096xi32> to vector<128x4096xf32>
      %dot_general3A_121 = arith.constant dense<0.000000e+00> : vector<128x33xf32>
      %dot_general3A_122 = tpu.matmul %convert_element_type3A_120, %concatenate3A, %dot_general3A_121 {dimension_numbers = #tpu.dot_dimension_numbers<[1], [0], [0], [1], [0, 0, 1, 1], [], []>, transpose_lhs_hint = false} : vector<128x4096xf32>, vector<4096x33xf32>, vector<128x33xf32> -> vector<128x33xf32>
      %slice3A = vector.extract_strided_slice %dot_general3A_122 {offsets = [0, 0], sizes = [128, 32], strides = [1, 1]} : vector<128x33xf32> to vector<128x32xf32>
      %slice3A_123 = vector.extract_strided_slice %dot_general3A_122 {offsets = [0, 32], sizes = [128, 1], strides = [1, 1]} : vector<128x33xf32> to vector<128x1xf32>
      %max3A_124 = arith.constant 1.000000e+00 : f32
      %max3A_125 = vector.broadcast %max3A_124 : f32 to vector<128x1xf32>
      %max3A_126 = arith.maximumf %slice3A_123, %max3A_125 : vector<128x1xf32>
      %div3A_127 = vector.broadcast %max3A_126 : vector<128x1xf32> to vector<128x32xf32>
      %div3A_128 = arith.divf %slice3A, %div3A_127 : vector<128x32xf32>
      %gt3A_129 = arith.constant 5.000000e-01 : f32
      %gt3A_130 = vector.broadcast %gt3A_129 : f32 to vector<128x32xf32>
      %gt3A_131 = arith.cmpf ogt, %div3A_128, %gt3A_130 : vector<128x32xf32>
      %convert_element_type3A_132 = arith.extui %gt3A_131 : vector<128x32xi1> to vector<128x32xi32>
      %convert_element_type3A_133 = arith.sitofp %convert_element_type3A_132 : vector<128x32xi32> to vector<128x32xf32>
      %gt3A_134 = arith.constant 0.000000e+00 : f32
      %gt3A_135 = vector.broadcast %gt3A_134 : f32 to vector<128x1xf32>
      %gt3A_136 = arith.cmpf ogt, %slice3A_123, %gt3A_135 : vector<128x1xf32>
      %broadcast_in_dim3A_137 = vector.shape_cast %gt3A_136 : vector<128x1xi1> to vector<128x1xi1>
      %broadcast_in_dim3A_138 = vector.broadcast %broadcast_in_dim3A_137 : vector<128x1xi1> to vector<128x32xi1>
      %select_n3A = arith.select %broadcast_in_dim3A_138, %convert_element_type3A_133, %scan3A_98 : vector<128x32xi1>, vector<128x32xf32>
      scf.yield %select_n3A, %convert_element_type3A_120, %slice3A_123 : vector<128x32xf32>, vector<128x4096xf32>, vector<128x1xf32>
    }
    %max3A = arith.constant 1.000000e+00 : f32
    %max3A_35 = vector.broadcast %max3A : f32 to vector<128x1xf32>
    %max3A_36 = arith.maximumf %scan3A_34#2, %max3A_35 : vector<128x1xf32>
    %div3A = arith.constant 1.000000e+00 : f32
    %div3A_37 = vector.broadcast %div3A : f32 to vector<128x1xf32>
    %div3A_38 = arith.divf %div3A_37, %max3A_36 : vector<128x1xf32>
    %dot_general3A_39 = arith.constant dense<0.000000e+00> : vector<128x64xf32>
    %dot_general3A_40 = tpu.matmul %scan3A_34#1, %get3A_3, %dot_general3A_39 {dimension_numbers = #tpu.dot_dimension_numbers<[1], [0], [0], [1], [0, 0, 1, 1], [], []>, transpose_lhs_hint = false} : vector<128x4096xf32>, vector<4096x64xf32>, vector<128x64xf32> -> vector<128x64xf32>
    %mul3A_41 = vector.broadcast %div3A_38 : vector<128x1xf32> to vector<128x64xf32>
    %mul3A_42 = arith.mulf %dot_general3A_40, %mul3A_41 : vector<128x64xf32>
    %get3A_43 = arith.constant 0 : index
    %get3A_44 = arith.constant 0 : index
    %get3A_45 = arith.constant 0 : index
    %get3A_46 = vector.load %arg2[%get3A_43, %get3A_44, %get3A_45] : memref<1x4096x64xf32, #tpu.memory_space<vmem>>, vector<1x4096x64xf32>
    %get3A_47 = vector.shape_cast %get3A_46 : vector<1x4096x64xf32> to vector<4096x64xf32>
    %dot_general3A_48 = arith.constant dense<0.000000e+00> : vector<128x4096xf32>
    %dot_general3A_49 = tpu.matmul %mul3A_42, %get3A_47, %dot_general3A_48 {dimension_numbers = #tpu.dot_dimension_numbers<[1], [1], [0], [0], [0, 0, 1, 0], [], []>, transpose_lhs_hint = false} : vector<128x64xf32>, vector<4096x64xf32>, vector<128x4096xf32> -> vector<128x4096xf32>
    %get3A_50 = arith.constant 0 : index
    %get3A_51 = arith.constant 0 : index
    %get3A_52 = arith.constant 0 : index
    %get3A_53 = vector.load %arg4[%get3A_50, %get3A_51, %get3A_52] : memref<1x1x4096xf32, #tpu.memory_space<vmem>>, vector<1x1x4096xf32>
    %get3A_54 = vector.shape_cast %get3A_53 : vector<1x1x4096xf32> to vector<4096xf32>
    %broadcast_in_dim3A_55 = vector.shape_cast %get3A_54 : vector<4096xf32> to vector<1x4096xf32>
    %add3A_56 = vector.broadcast %broadcast_in_dim3A_55 : vector<1x4096xf32> to vector<128x4096xf32>
    %add3A_57 = arith.addf %dot_general3A_49, %add3A_56 : vector<128x4096xf32>
    %mul3A_58 = arith.constant 1.250000e-01 : f32
    %mul3A_59 = vector.broadcast %mul3A_58 : f32 to vector<128x4096xf32>
    %mul3A_60 = arith.mulf %mul3A_59, %add3A_57 : vector<128x4096xf32>
    %exp3A = math.exp %mul3A_60 : vector<128x4096xf32>
    %reduce_sum3A = arith.constant dense<0.000000e+00> : vector<128xf32>
    %reduce_sum3A_61 = vector.multi_reduction <add>, %exp3A, %reduce_sum3A [1] : vector<128x4096xf32> to vector<128xf32>
    %broadcast_in_dim3A_62 = vector.shape_cast %reduce_sum3A_61 : vector<128xf32> to vector<128x1xf32>
    %get3A_63 = arith.constant 0 : index
    %get3A_64 = arith.constant 0 : index
    %get3A_65 = arith.constant 0 : index
    %get3A_66 = vector.load %arg3[%get3A_63, %get3A_64, %get3A_65] : memref<1x4096x64xf32, #tpu.memory_space<vmem>>, vector<1x4096x64xf32>
    %get3A_67 = vector.shape_cast %get3A_66 : vector<1x4096x64xf32> to vector<4096x64xf32>
    %dot_general3A_68 = arith.constant dense<0.000000e+00> : vector<128x64xf32>
    %dot_general3A_69 = tpu.matmul %exp3A, %get3A_67, %dot_general3A_68 {dimension_numbers = #tpu.dot_dimension_numbers<[1], [0], [0], [1], [0, 0, 1, 1], [], []>, transpose_lhs_hint = false} : vector<128x4096xf32>, vector<4096x64xf32>, vector<128x64xf32> -> vector<128x64xf32>
    %div3A_70 = vector.broadcast %broadcast_in_dim3A_62 : vector<128x1xf32> to vector<128x64xf32>
    %div3A_71 = arith.divf %dot_general3A_69, %div3A_70 : vector<128x64xf32>
    %broadcast_in_dim3A_72 = arith.constant 0.000000e+00 : f32
    %broadcast_in_dim3A_73 = vector.broadcast %broadcast_in_dim3A_72 : f32 to vector<128x64xf32>
    %concatenate3A_74 = tpu.concatenate %div3A_71, %broadcast_in_dim3A_73 in 1 : vector<128x64xf32>, vector<128x64xf32> -> vector<128x128xf32>
    %swap3A = arith.constant 0 : index
    %swap3A_75 = arith.constant 0 : index
    %swap3A_76 = arith.constant 0 : index
    %swap3A_77 = vector.load %arg6[%swap3A, %swap3A_75, %swap3A_76] : memref<1x128x128xf32, #tpu.memory_space<vmem>>, vector<1x128x128xf32>
    %swap3A_78 = vector.shape_cast %swap3A_77 : vector<1x128x128xf32> to vector<128x128xf32>
    %swap3A_79 = vector.shape_cast %concatenate3A_74 : vector<128x128xf32> to vector<1x128x128xf32>
    tpu.vector_store %arg6[%swap3A, %swap3A_75, %swap3A_76], %swap3A_79 {strides = array<i32>} : memref<1x128x128xf32, #tpu.memory_space<vmem>>, vector<1x128x128xf32>,
    %mul3A_80 = vector.broadcast %convert_element_type3A_26 : vector<128x1xf32> to vector<128x4096xf32>
    %mul3A_81 = arith.mulf %scan3A_34#1, %mul3A_80 : vector<128x4096xf32>
    %reduce_sum3A_82 = arith.constant dense<0.000000e+00> : vector<4096xf32>
    %reduce_sum3A_83 = vector.multi_reduction <add>, %mul3A_81, %reduce_sum3A_82 [0] : vector<128x4096xf32> to vector<4096xf32>
    %broadcast_in_dim3A_84 = vector.shape_cast %reduce_sum3A_83 : vector<4096xf32> to vector<1x4096xf32>
    %convert_element_type3A_85 = arith.sitofp %arg0 : i32 to f32
    %mul3A_86 = arith.constant 1.280000e+02 : f32
    %mul3A_87 = arith.mulf %convert_element_type3A_85, %mul3A_86 : f32
    %add3A_88 = vector.broadcast %mul3A_87 : f32 to vector<1x4096xf32>
    %add3A_89 = arith.addf %broadcast_in_dim3A_84, %add3A_88 : vector<1x4096xf32>
    %convert_element_type3A_90 = arith.fptosi %add3A_89 : vector<1x4096xf32> to vector<1x4096xi32>
    %swap3A_91 = arith.constant 0 : index
    %swap3A_92 = arith.constant 0 : index
    %swap3A_93 = arith.constant 0 : index
    %swap3A_94 = vector.load %arg7[%swap3A_91, %swap3A_92, %swap3A_93] : memref<1x1x4096xi32, #tpu.memory_space<vmem>>, vector<1x1x4096xi32>
    %swap3A_95 = vector.shape_cast %swap3A_94 : vector<1x1x4096xi32> to vector<1x4096xi32>
    %swap3A_96 = vector.shape_cast %convert_element_type3A_90 : vector<1x4096xi32> to vector<1x1x4096xi32>
    tpu.vector_store %arg7[%swap3A_91, %swap3A_92, %swap3A_93], %swap3A_96 {strides = array<i32>} : memref<1x1x4096xi32, #tpu.memory_space<vmem>>, vector<1x1x4096xi32>,
    return
  }
  func.func @transform_0(%arg0: i32) -> (i32, i32, i32) {
    %c0_i32 = arith.constant 0 : i32
    %c0_i32_0 = arith.constant 0 : i32
    %c0_i32_1 = arith.constant 0 : i32
    return %arg0, %c0_i32, %c0_i32_0 : i32, i32, i32
  }
  func.func @transform_1(%arg0: i32) -> (i32, i32, i32) {
    %c0_i32 = arith.constant 0 : i32
    %c0_i32_0 = arith.constant 0 : i32
    %c0_i32_1 = arith.constant 0 : i32
    return %arg0, %c0_i32, %c0_i32_0 : i32, i32, i32
  }
  func.func @transform_2(%arg0: i32) -> (i32, i32, i32) {
    %c0_i32 = arith.constant 0 : i32
    %c0_i32_0 = arith.constant 0 : i32
    %c0_i32_1 = arith.constant 0 : i32
    return %arg0, %c0_i32, %c0_i32_0 : i32, i32, i32
  }
  func.func @transform_3(%arg0: i32) -> (i32, i32, i32) {
    %jit3A = arith.constant 12 : i32
    %div3A = arith.divsi %arg0, %jit3A : i32
    %sign3A = arith.constant 0 : i32
    %sign3A_0 = arith.cmpi sgt, %arg0, %sign3A : i32
    %sign3A_1 = arith.extui %sign3A_0 : i1 to i32
    %sign3A_2 = arith.constant 0 : i32
    %sign3A_3 = arith.cmpi slt, %arg0, %sign3A_2 : i32
    %sign3A_4 = arith.extui %sign3A_3 : i1 to i32
    %sign3A_5 = arith.subi %sign3A_1, %sign3A_4 : i32
    %sign3A_6 = arith.constant 0 : i32
    %sign3A_7 = arith.cmpi sgt, %jit3A, %sign3A_6 : i32
    %sign3A_8 = arith.extui %sign3A_7 : i1 to i32
    %sign3A_9 = arith.constant 0 : i32
    %sign3A_10 = arith.cmpi slt, %jit3A, %sign3A_9 : i32
    %sign3A_11 = arith.extui %sign3A_10 : i1 to i32
    %sign3A_12 = arith.subi %sign3A_8, %sign3A_11 : i32
    %ne3A = arith.cmpi ne, %sign3A_5, %sign3A_12 : i32
    %rem3A = arith.remsi %arg0, %jit3A : i32
    %ne3A_13 = arith.constant 0 : i32
    %ne3A_14 = arith.cmpi ne, %rem3A, %ne3A_13 : i32
    %and3A = arith.andi %ne3A, %ne3A_14 : i1
    %sub3A = arith.constant 1 : i32
    %sub3A_15 = arith.subi %div3A, %sub3A : i32
    %select_n3A = arith.select %and3A, %sub3A_15, %div3A : i32
    %c0_i32 = arith.constant 0 : i32
    %c0_i32_16 = arith.constant 0 : i32
    %c0_i32_17 = arith.constant 0 : i32
    return %select_n3A, %c0_i32, %c0_i32_16 : i32, i32, i32
  }
  func.func @transform_4(%arg0: i32) -> (i32, i32) {
    %c0_i32 = arith.constant 0 : i32
    %c0_i32_0 = arith.constant 0 : i32
    %c0_i32_1 = arith.constant 0 : i32
    return %c0_i32, %c0_i32_0 : i32, i32
  }
  func.func @transform_5(%arg0: i32) -> (i32, i32, i32) {
    %c0_i32 = arith.constant 0 : i32
    %c0_i32_0 = arith.constant 0 : i32
    %c0_i32_1 = arith.constant 0 : i32
    return %arg0, %c0_i32, %c0_i32_0 : i32, i32, i32
  }
  func.func @transform_6(%arg0: i32) -> (i32, i32, i32) {
    %c0_i32 = arith.constant 0 : i32
    %c0_i32_0 = arith.constant 0 : i32
    %c0_i32_1 = arith.constant 0 : i32
    return %arg0, %c0_i32, %c0_i32_0 : i32, i32, i32
  }
}

</mosaic_0001>

<sc_bundles>
// kernel: kernel.4.cloned.1.call-start
scs
__scs_entry_jumppad:
0x0: {  	(pc) =	sbr.rel $0x88, $3  }
0x1: {  	(tag) =	ssettag $0x0;
	lr =	simm.s32 $0x1  }
0x2: {  	[smem:$0x3F9C] =	sst lr;
	_ =	strace $0xD0000000  }
0x3: {  	_ = 	snop  }
0x4: {  	_ = 	snop  }
0x5: {  	_ = 	snop  }
0x6: {  	_ = 	snop  }
0x7: {  	_ = 	snop  }
__scs_overlays_trampoline_lowered:
0x8: {  	[smem:$0x3FAB] =	sst s0  }
0x9: {  	[smem:$0x3FAC] =	sst s1  }
0xa: {  	[smem:$0x3FAD] =	sst s2  }
0xb: {  	[smem:$0x3FAE] =	sst s3  }
0xc: {  	[smem:$0x3FAF] =	sst s4  }
0xd: {  	[smem:$0x3FB0] =	sst s5  }
0xe: {  	[smem:$0x3FB1] =	sst s6  }
0xf: {  	[smem:$0x3FB2] =	sst s7  }
0x10: {  	[smem:$0x3FB3] =	sst s8  }
0x11: {  	[smem:$0x3FB4] =	sst s9;
	s0 =	simm.s32 @!p0 $0x0  }
0x12: {  	s1 =	sld [smem:$0x3F9A];
	s0 =	simm.s32 @p0 $0x1  }
0x13: {  	[smem:$0x3FB5] =	sst s0;
	s0 =	simm.s32 @!p1 $0x0  }
0x14: {  	s2 =	sld [smem:$0x3F99];
	s0 =	simm.s32 @p1 $0x1  }
0x15: {  	[smem:$0x3FB6] =	sst s0;
	s0 =	simm.s32 @!p2 $0x0  }
0x16: {  	s3 =	sld [smem:$0x3FDB];
	s0 =	simm.s32 @p2 $0x1  }
0x17: {  	s4 =	simm.s32 $0x1BF5;
	[smem:$0x3FB8] =	sst s0  }
0x18: {  	s0 =	sld [smem:$0x3F9B];
	_ =	swait.ge [sflag:s4], $0x0  }
0x19: {  	s7 =	sld [smem:$0x3F9C]  }
0x1a: {  	s8 =	sadd.s32 $0xFFFFE003, lr  }
0x1b: {  	s9 =	sadd.s32 $0xFFFFFEF7, lr;
	s5 =	simm.s32 $0xFFFFFFFF;
	p2 =	slt.u32 s8, $0xFFFFF086  }
0x1c: {  	p1 =	slt.u32 s9, $0xF7A;
	s5 =	simm.s32 @!p2 $0x0  }
0x1d: {  	s5 =	simm.s32 @p1 $0x1;
	p0 =	seq.s32 s7, s2  }
0x1e: {  	s7 =	smul.u32 @!p0 $0xF7A, s2;
	p2 =	seq.s32 @!p0 s5, $0x0  }
0x1f: {  	s9 =	smul.u32 $0xF7A, s1;
	s8 =	simm.s32 @!p0 $0x1BF5;
	p2 =	por !p2, p0  }
0x20: {  	[sflag:s8] =	ssyncset.s32 @!p0 $0xFFFFF086;
	s6 =	sadd.s32 @!p0 s3, s7;
	s7 =	simm.s32 @!p0 $0x108  }
0x21: {  	s3 =	sadd.s32 s3, s9;
	s6 =	sadd.s32 @!p0 $0x88, s6;
	s7 =	simm.s32 @p2 $0x1082  }
0x22: {  	[simem:s7], [sflag:s8] =	dma.local @!p0 [hbm:s6], $0xF7A  }
0x23: {  	s9 =	sor.u32 $0xD0000000, s2;
	s6 =	simm.s32 $0x108;
	_ =	swait.ge @!p0 [sflag:s8], $0x0  }
0x24: {  	s3 =	sadd.s32 $0x88, s3;
	s6 =	simm.s32 @!p1 $0x1082;
	[sflag:s4] =	ssyncset.s32 $0xFFFFF086  }
0x25: {  	[simem:s6], [sflag:s4] =	dma.local [hbm:s3], $0xF7A  }
0x26: {  	[smem:$0x3F9C] =	sst s1;
	(tag) =	ssettag s2;
	_ =	strace s9  }
0x27: {  	s1 =	sld [smem:$0x3FAC]  }
0x28: {  	s2 =	sld [smem:$0x3FAD]  }
0x29: {  	s4 =	sld [smem:$0x3FAF]  }
0x2a: {  	p0 =	seq.s32 s5, $0x0;
	s5 =	sld [smem:$0x3FB0]  }
0x2b: {  	s6 =	sld [smem:$0x3FB1]  }
0x2c: {  	s7 =	sld [smem:$0x3FB2]  }
0x2d: {  	s3 =	simm.s32 $0x108;
	s8 =	sld [smem:$0x3FB3]  }
0x2e: {  	s3 =	simm.s32 @!p0 $0x1082;
	s9 =	sld [smem:$0x3FB4]  }
0x2f: {  	lr =	sadd.s32 s0, s3;
	s0 =	sld [smem:$0x3FAB]  }
0x30: {  	s3 =	sld [smem:$0x3FAE]  }
0x31: {  	[smem:$0x3FB7] =	sst s10  }
0x32: {  	s10 =	sld [smem:$0x3FB5];
	_ =	sdelay $0x3  }
0x33: {  	p0 =	seq.s32 s10, $0x1;
	s10 =	sld [smem:$0x3FB7];
	_ =	sdelay $0x3  }
0x34: {  	[smem:$0x3FB7] =	sst s10  }
0x35: {  	s10 =	sld [smem:$0x3FB6];
	_ =	sdelay $0x3  }
0x36: {  	p1 =	seq.s32 s10, $0x1;
	s10 =	sld [smem:$0x3FB7];
	_ =	sdelay $0x3  }
0x37: {  	[smem:$0x3FB7] =	sst s10  }
0x38: {  	s10 =	sld [smem:$0x3FB8]  }
0x39: {  	_ = 	snop;
	(pc) =	sbr.ind lr, $3  }
0x3a: {  	_ = 	snop  }
0x3b: {  	_ = 	snop  }
0x3c: {  	p2 =	seq.s32 s10, $0x1;
	s10 =	sld [smem:$0x3FB7]  }
0x3d: {  	_ =	shalt  }
0x3e: {  	_ =	shalt  }
0x3f: {  	_ =	shalt  }
0x40: {  	_ =	shalt  }
0x41: {  	_ =	shalt  }
0x42: {  	_ =	shalt  }
0x43: {  	_ =	shalt  }
0x44: {  	_ =	shalt  }
0x45: {  	_ =	shalt  }
0x46: {  	_ =	shalt  }
0x47: {  	_ =	shalt  }
0x48: {  	_ =	shalt  }
0x49: {  	_ =	shalt  }
0x4a: {  	_ =	shalt  }
0x4b: {  	_ =	shalt  }
0x4c: {  	_ =	shalt  }
0x4d: {  	_ =	shalt  }
0x4e: {  	_ =	shalt  }
0x4f: {  	_ =	shalt  }
0x50: {  	_ =	shalt  }
0x51: {  	_ =	shalt  }
0x52: {  	_ =	shalt  }
0x53: {  	_ =	shalt  }
0x54: {  	_ =	shalt  }
0x55: {  	_ =	shalt  }
0x56: {  	_ =	shalt  }
0x57: {  	_ =	shalt  }
0x58: {  	_ =	shalt  }
0x59: {  	_ =	shalt  }
0x5a: {  	_ =	shalt  }
0x5b: {  	_ =	shalt  }
0x5c: {  	_ =	shalt  }
0x5d: {  	_ =	shalt  }
0x5e: {  	_ =	shalt  }
0x5f: {  	_ =	shalt  }
0x60: {  	_ =	shalt  }
0x61: {  	_ =	shalt  }
0x62: {  	_ =	shalt  }
0x63: {  	_ =	shalt  }
0x64: {  	_ =	shalt  }
0x65: {  	_ =	shalt  }
0x66: {  	_ =	shalt  }
0x67: {  	_ =	shalt  }
0x68: {  	_ =	shalt  }
0x69: {  	_ =	shalt  }
0x6a: {  	_ =	shalt  }
0x6b: {  	_ =	shalt  }
0x6c: {  	_ =	shalt  }
0x6d: {  	_ =	shalt  }
0x6e: {  	_ =	shalt  }
0x6f: {  	_ =	shalt  }
0x70: {  	_ =	shalt  }
0x71: {  	_ =	shalt  }
0x72: {  	_ =	shalt  }
0x73: {  	_ =	shalt  }
0x74: {  	_ =	shalt  }
0x75: {  	_ =	shalt  }
0x76: {  	_ =	shalt  }
0x77: {  	_ =	shalt  }
0x78: {  	_ =	shalt  }
0x79: {  	_ =	shalt  }
0x7a: {  	_ =	shalt  }
0x7b: {  	_ =	shalt  }
0x7c: {  	_ =	shalt  }
0x7d: {  	_ =	shalt  }
0x7e: {  	_ =	shalt  }
0x7f: {  	_ =	shalt  }
0x80: {  	_ =	shalt  }
0x81: {  	_ =	shalt  }
0x82: {  	_ =	shalt  }
0x83: {  	_ =	shalt  }
0x84: {  	_ =	shalt  }
0x85: {  	_ =	shalt  }
0x86: {  	_ =	shalt  }
0x87: {  	_ =	shalt  }
.Lfunc_end0:
.L_simem_size_0:
called_computation_lowered:
.L_overlay_start_0:
0x88: {  	s2 =	sld [smem:$0x3FD9]  }
0x89: {  	s3 =	sld [smem:$0x3FFE];
	_ =	sdelay $0x1  }
0x8a: {  	s1 =	srdreg.scid  }
0x8b: {  	s0 =	sand.u32 $0x1, s1  }
0x8c: {  	s17 =	sshll.u32 s0, $0xA;
	s2 =	sadd.s32 s3, s2  }
0x8d: {  	s2 =	sadd.s32 s2, s17  }
0x8e: {  	[smem:$0x3FC3] =	sst s2  }
0x8f: {  	_ = 	snop  }
0x90: {  	s2 =	sld [smem:$0x3FD0];
	(tm) =	ssettm $0x1  }
0x91: {  	s18 =	sld [smem:$0x3FFB];
	_ =	sdelay $0x3  }
0x92: {  	_ =	strace s18  }
0x93: {  	s3 =	sld [smem:$0x3FFC];
	_ =	sdelay $0x3  }
0x94: {  	_ =	strace s3  }
0x95: {  	s3 =	sld [smem:$0x3FFD];
	_ =	sdelay $0x3  }
0x96: {  	_ =	strace s3  }
0x97: {  	_ =	strace $0x8FFFFFFF  }
0x98: {  	s19 =	sld [smem:$0x3FDB];
	_ =	sdelay $0x1  }
0x99: {  	s4 =	simm.s32 $_scs_section_size  }
0x9a: {  	s5 =	simm.s32 $_size__tile_overlayer_lowered;
	s6 =	simm.s32 $_tile_overlayer_lowered  }
0x9b: {  	s22 =	simm.s32 $0x1BFF;
	s21 =	sshll.u32 s6, $0x1;
	s3 =	sadd.s32 s4, s19  }
0x9c: {  	s7 =	simm.s32 $0x0;
	s20 =	sshll.u32 s5, $0x1;
	s5 =	sadd.s32 s21, s3  }
0x9d: {  	[timem:s7], [sflag:s22] =	dma.local [hbm:s5], s20  }
0x9e: {  	_ =	swait.ge [sflag:s22], s20  }
0x9f: {  	s4 =	ssub.s32 $0x0, s20;
	[sflag:s22] =	ssyncset.done $0x0  }
0xa0: {  	[sflag:s22] =	ssyncadd.s32 s4;
	_ =	sdelay $0x1  }
0xa1: {  	s23 =	simm.s32 $0x1B8B  }
0xa2: {  	_ =	swait.ge [sflag:s23], $0x1  }
0xa3: {  	[sflag:s23] =	ssyncset.done $0x0  }
0xa4: {  	s25 =	simm.s32 $0x1B8E;
	s24 =	sld [smem:$0x3FFE];
	[sflag:s23] =	ssyncadd.s32 $0xFFFFFFFF  }
0xa5: {  	s26 =	simm.s32 $execute0_lowered;
	[smem:$0x3FD2] =	sst s25  }
0xa6: {  	s5 =	sshll.u32 s26, $0x1;
	_ =	strace $0x80000046;
	[dreg:$0x1] =	wrdreg $0xFFFFFFFF  }
0xa7: {  	s28 =	simm.s32 $_size_execute0_lowered;
	s3 =	sadd.s32 s3, s5;
	[dreg:$0x0] =	wrdreg $0x0  }
0xa8: {  	s5 =	sshll.u32 s28, $0x1;
	[dreg:$0x2] =	wrdreg s3  }
0xa9: {  	[dreg:$0x3] =	wrdreg s5  }
0xaa: {  	[dreg:$0x4] =	wrdreg $0xC0  }
0xab: {  	_ =	task [dreg:s7], $0x5FFFF  }
0xac: {  	[dreg:$0x1] =	wrdreg $0xFFFFFFFF  }
0xad: {  	[dreg:$0x0] =	wrdreg $0x60  }
0xae: {  	[dreg:$0x2] =	wrdreg s2  }
0xaf: {  	[dreg:$0x3] =	wrdreg s24  }
0xb0: {  	[dreg:$0x4] =	wrdreg $0x9  }
0xb1: {  	_ =	task.clear_ibuf [dreg:s7], $0x5FFFF;
	_ =	strace $0x90000046  }
0xb2: {  	s29 =	simm.s32 $0x9;
	_ =	strace $0x80000048  }
0xb3: {  	_ =	swait.ge [sflag:s29], $0x1  }
0xb4: {  	[sflag:s29] =	ssyncadd.s32 $0xFFFFFFFF  }
0xb5: {  	_ =	strace $0x90000048  }
0xb6: {  	_ =	sfence  }
0xb7: {  	s30 =	sld [smem:$0x0];
	_ =	sdelay $0x2  }
0xb8: {  	s31 =	sshll.u32 s1, $0xD;
	s1 =	sshrl.u32 s1, $0x2  }
0xb9: {  	s3 =	sand.u32 $0x4000, s31;
	s1 =	sadd.s32 s1, s30  }
0xba: {  	s0 =	sor.u32 s3, s0;
	s1 =	sshll.u32 s1, $0x11  }
0xbb: {  	s0 =	sor.u32 s1, s0  }
0xbc: {  	s0 =	sadd.s32 $0x8F2B, s0  }
0xbd: {  	[sflag:s0] =	ssyncadd.remote.s32 $0x1  }
0xbe: {  	_ =	sfence.sel $0xFFFF  }
0xbf: {  	[dreg:$0x0] =	wrdreg $0xFFFFFFFF;
	(pc) =	sbr.abs _section_cstart, $3  }
0xc0: {  	[dreg:$0x1] =	wrdreg $0xFFFFFFFF  }
0xc1: {  	_ =	task.clear_ibuf [dreg:s7], $0x2FFFF;
	_ =	strace $0x9FFFFFFF  }
0xc2: {  	(tm) =	ssettm $0x7FFFFFFF  }
0xc3: {  	_ =	shalt  }
tec
execute0_lowered:
.L_overlay_start_1:
0x0: {  	(tag) =	ssettag $0x1  }
0x1: {  	s1 =	srdreg.scid;
	s0 =	stileid.u32  }
0x2: {  	s18 =	sand.u32 $0x1, s1;
	s26 =	sshll.u32 s0, $0x1  }
0x3: {  	s2 =	rddreg [dreg:$0x0];
	s8 =	sor.u32 s18, s26  }
0x4: {  	s9 =	rddreg [dreg:$0x1];
	s19 =	smul.u32 $0xC00, s8  }
0x5: {  	s3 =	simm.s32 $0x0;
	s1 =	rddreg [dreg:$0x2]  }
0x6: {  	[smem:$0x7FF] =	sst s3;
	s17 =	sadd.s32 $0x800, s9;
	s4 =	sshrl.u32 s19, $0x3  }
0x7: {  	_ =	strace $0x80000047;
	s5 =	sadd.s32 s17, s4;
	s4 =	simm.s32 $0x2  }
0x8: {  	[tilespmem:s3], [sflag:$0x2] =	stream.linear.gather [hbm4b:s5+s3], $0x200, $0x38;
	[tilespmem:$0x10200] =	vst v63  }
0x9: {  	_ =	swait.ge [sflag:s4], $0x200  }
0xa: {  	[sflag:s4] =	ssyncset.done $0x0  }
0xb: {  	s6 =	simm.s32 $0x200;
	s7 =	simm.s32 $0x1;
	[sflag:s4] =	ssyncadd.s32 $0xFFFFFE00  }
0xc: {  	[tilespmem:s6], [sflag:$0x1] =	stream.indirect.gather [hbm4b:s2+s6], $0x80, s3, s6, $0xb8;
	[tilespmem:$0x10200] =	vst v63  }
0xd: {  	s8 =	smul.u32 $0xC000, s8;
	_ =	swait.ge [sflag:s7], $0x10000  }
0xe: {  	s20 =	sadd.s32 $0x3800, s9;
	[sflag:s7] =	ssyncset.done $0x0  }
0xf: {  	s8 =	sadd.s32 s20, s8;
	[sflag:s7] =	ssyncadd.s32 $0xFFFF0000  }
0x10: {  	[hbm4b:s8+s3] =	stream.linear.scatter [tilespmem:s6], [sflag:$0x2], $0x10000, $0x38;
	[tilespmem:$0x10200] =	vst v63  }
0x11: {  	s10 =	sor.u32 $0x200, s19;
	_ =	swait.ge [sflag:s4], $0x10000  }
0x12: {  	s28 =	sshrl.u32 s10, $0x3;
	[sflag:s4] =	ssyncset.done $0x0  }
0x13: {  	s9 =	sadd.s32 s17, s28;
	[sflag:s4] =	ssyncadd.s32 $0xFFFF0000  }
0x14: {  	[tilespmem:s3], [sflag:$0x2] =	stream.linear.gather [hbm4b:s9+s3], $0x200, $0x38;
	[tilespmem:$0x10200] =	vst v63  }
0x15: {  	_ =	swait.ge [sflag:s4], $0x200  }
0x16: {  	[sflag:s4] =	ssyncset.done $0x0  }
0x17: {  	[sflag:s4] =	ssyncadd.s32 $0xFFFFFE00  }
0x18: {  	[tilespmem:s6], [sflag:$0x1] =	stream.indirect.gather [hbm4b:s2+s6], $0x80, s3, s6, $0xb8;
	[tilespmem:$0x10200] =	vst v63  }
0x19: {  	_ =	swait.ge [sflag:s7], $0x10000  }
0x1a: {  	s10 =	sshll.u32 s10, $0x4;
	[sflag:s7] =	ssyncset.done $0x0  }
0x1b: {  	s10 =	sadd.s32 s20, s10;
	[sflag:s7] =	ssyncadd.s32 $0xFFFF0000  }
0x1c: {  	[hbm4b:s10+s3] =	stream.linear.scatter [tilespmem:s6], [sflag:$0x2], $0x10000, $0x38;
	[tilespmem:$0x10200] =	vst v63  }
0x1d: {  	s12 =	sadd.s32 $0x400, s19;
	_ =	swait.ge [sflag:s4], $0x10000  }
0x1e: {  	s11 =	sshrl.u32 s12, $0x3;
	[sflag:s4] =	ssyncset.done $0x0  }
0x1f: {  	s11 =	sadd.s32 s17, s11;
	[sflag:s4] =	ssyncadd.s32 $0xFFFF0000  }
0x20: {  	[tilespmem:s3], [sflag:$0x2] =	stream.linear.gather [hbm4b:s11+s3], $0x200, $0x38;
	[tilespmem:$0x10200] =	vst v63  }
0x21: {  	_ =	swait.ge [sflag:s4], $0x200  }
0x22: {  	[sflag:s4] =	ssyncset.done $0x0  }
0x23: {  	[sflag:s4] =	ssyncadd.s32 $0xFFFFFE00  }
0x24: {  	[tilespmem:s6], [sflag:$0x1] =	stream.indirect.gather [hbm4b:s2+s6], $0x80, s3, s6, $0xb8;
	[tilespmem:$0x10200] =	vst v63  }
0x25: {  	_ =	swait.ge [sflag:s7], $0x10000  }
0x26: {  	s12 =	sshll.u32 s12, $0x4;
	[sflag:s7] =	ssyncset.done $0x0  }
0x27: {  	s12 =	sadd.s32 s20, s12;
	[sflag:s7] =	ssyncadd.s32 $0xFFFF0000  }
0x28: {  	[hbm4b:s12+s3] =	stream.linear.scatter [tilespmem:s6], [sflag:$0x2], $0x10000, $0x38;
	[tilespmem:$0x10200] =	vst v63  }
0x29: {  	s14 =	sadd.s32 $0x600, s19;
	_ =	swait.ge [sflag:s4], $0x10000  }
0x2a: {  	s13 =	sshrl.u32 s14, $0x3;
	[sflag:s4] =	ssyncset.done $0x0  }
0x2b: {  	s13 =	sadd.s32 s17, s13;
	[sflag:s4] =	ssyncadd.s32 $0xFFFF0000  }
0x2c: {  	[tilespmem:s3], [sflag:$0x2] =	stream.linear.gather [hbm4b:s13+s3], $0x200, $0x38;
	[tilespmem:$0x10200] =	vst v63  }
0x2d: {  	_ =	swait.ge [sflag:s4], $0x200  }
0x2e: {  	[sflag:s4] =	ssyncset.done $0x0  }
0x2f: {  	[sflag:s4] =	ssyncadd.s32 $0xFFFFFE00  }
0x30: {  	[tilespmem:s6], [sflag:$0x1] =	stream.indirect.gather [hbm4b:s2+s6], $0x80, s3, s6, $0xb8;
	[tilespmem:$0x10200] =	vst v63  }
0x31: {  	_ =	swait.ge [sflag:s7], $0x10000  }
0x32: {  	s14 =	sshll.u32 s14, $0x4;
	[sflag:s7] =	ssyncset.done $0x0  }
0x33: {  	s14 =	sadd.s32 s20, s14;
	[sflag:s7] =	ssyncadd.s32 $0xFFFF0000  }
0x34: {  	[hbm4b:s14+s3] =	stream.linear.scatter [tilespmem:s6], [sflag:$0x2], $0x10000, $0x38;
	[tilespmem:$0x10200] =	vst v63  }
0x35: {  	s16 =	sadd.s32 $0x800, s19;
	_ =	swait.ge [sflag:s4], $0x10000  }
0x36: {  	s15 =	sshrl.u32 s16, $0x3;
	[sflag:s4] =	ssyncset.done $0x0  }
0x37: {  	s15 =	sadd.s32 s17, s15;
	[sflag:s4] =	ssyncadd.s32 $0xFFFF0000  }
0x38: {  	[tilespmem:s3], [sflag:$0x2] =	stream.linear.gather [hbm4b:s15+s3], $0x200, $0x38;
	[tilespmem:$0x10200] =	vst v63  }
0x39: {  	_ =	swait.ge [sflag:s4], $0x200  }
0x3a: {  	[sflag:s4] =	ssyncset.done $0x0  }
0x3b: {  	[sflag:s4] =	ssyncadd.s32 $0xFFFFFE00  }
0x3c: {  	[tilespmem:s6], [sflag:$0x1] =	stream.indirect.gather [hbm4b:s2+s6], $0x80, s3, s6, $0xb8;
	[tilespmem:$0x10200] =	vst v63  }
0x3d: {  	_ =	swait.ge [sflag:s7], $0x10000  }
0x3e: {  	s16 =	sshll.u32 s16, $0x4;
	[sflag:s7] =	ssyncset.done $0x0  }
0x3f: {  	s16 =	sadd.s32 s20, s16;
	[sflag:s7] =	ssyncadd.s32 $0xFFFF0000  }
0x40: {  	[hbm4b:s16+s3] =	stream.linear.scatter [tilespmem:s6], [sflag:$0x2], $0x10000, $0x38;
	[tilespmem:$0x10200] =	vst v63  }
0x41: {  	s19 =	sadd.s32 $0xA00, s19;
	_ =	swait.ge [sflag:s4], $0x10000  }
0x42: {  	s21 =	sshrl.u32 s19, $0x3;
	[sflag:s4] =	ssyncset.done $0x0  }
0x43: {  	s18 =	ssub.s32 $0x2, s18;
	s17 =	sadd.s32 s17, s21;
	[sflag:s4] =	ssyncadd.s32 $0xFFFF0000  }
0x44: {  	[tilespmem:s3], [sflag:$0x2] =	stream.linear.gather [hbm4b:s17+s3], $0x200, $0x38;
	[tilespmem:$0x10200] =	vst v63  }
0x45: {  	s29 =	sshrl.u32 s18, $0x1;
	_ =	swait.ge [sflag:s4], $0x200  }
0x46: {  	s21 =	ssub.s32 s18, s29;
	[sflag:s4] =	ssyncset.done $0x0  }
0x47: {  	s31 =	smax.u32 s21, $0x1;
	[sflag:s4] =	ssyncadd.s32 $0xFFFFFE00  }
0x48: {  	[tilespmem:s6], [sflag:$0x1] =	stream.indirect.gather [hbm4b:s2+s6], $0x80, s3, s6, $0xb8;
	[tilespmem:$0x10200] =	vst v63  }
0x49: {  	p0 =	sne.s32 s31, $0x1;
	_ =	swait.ge [sflag:s7], $0x10000  }
.Ltmp0:
0x4a: {  	s30 =	sshll.u32 s19, $0x4;
	[sflag:s7] =	ssyncset.done $0x0;
	(pc) =	sbr.rel @!p0 .LBB2_2-.Ltmp0, $4  }
0x4b: {  	s18 =	sadd.s32 s20, s30;
	[sflag:s7] =	ssyncadd.s32 $0xFFFF0000  }
0x4c: {  	[hbm4b:s18+s3] =	stream.linear.scatter [tilespmem:s6], [sflag:$0x2], $0x10000, $0x38;
	[tilespmem:$0x10200] =	vst v63  }
0x4d: {  	_ =	swait.ge [sflag:s4], $0x10000  }
0x4e: {  	s19 =	sadd.s32 $0xFFFFFFFF, s31;
	[sflag:s4] =	ssyncset.done $0x0  }
.LBB2_1:
0x4f: {  	p0 =	sne.s32 s19, $0x1;
	s19 =	sadd.s32 $0xFFFFFFFF, s19;
	[sflag:s4] =	ssyncadd.s32 $0xFFFF0000  }
0x50: {  	[tilespmem:s3], [sflag:$0x2] =	stream.linear.gather [hbm4b:s5+s3], $0x200, $0x38;
	[tilespmem:$0x10200] =	vst v63  }
0x51: {  	_ =	swait.ge [sflag:s4], $0x200  }
0x52: {  	[sflag:s4] =	ssyncset.done $0x0  }
0x53: {  	[sflag:s4] =	ssyncadd.s32 $0xFFFFFE00  }
0x54: {  	[tilespmem:s6], [sflag:$0x1] =	stream.indirect.gather [hbm4b:s2+s6], $0x80, s3, s6, $0xb8;
	[tilespmem:$0x10200] =	vst v63  }
0x55: {  	_ =	swait.ge [sflag:s7], $0x10000  }
0x56: {  	[sflag:s7] =	ssyncset.done $0x0  }
0x57: {  	[sflag:s7] =	ssyncadd.s32 $0xFFFF0000  }
0x58: {  	[hbm4b:s8+s3] =	stream.linear.scatter [tilespmem:s6], [sflag:$0x2], $0x10000, $0x38;
	[tilespmem:$0x10200] =	vst v63  }
0x59: {  	_ =	swait.ge [sflag:s4], $0x10000  }
0x5a: {  	[sflag:s4] =	ssyncset.done $0x0  }
0x5b: {  	[sflag:s4] =	ssyncadd.s32 $0xFFFF0000  }
0x5c: {  	[tilespmem:s3], [sflag:$0x2] =	stream.linear.gather [hbm4b:s9+s3], $0x200, $0x38;
	[tilespmem:$0x10200] =	vst v63  }
0x5d: {  	_ =	swait.ge [sflag:s4], $0x200  }
0x5e: {  	[sflag:s4] =	ssyncset.done $0x0  }
0x5f: {  	[sflag:s4] =	ssyncadd.s32 $0xFFFFFE00  }
0x60: {  	[tilespmem:s6], [sflag:$0x1] =	stream.indirect.gather [hbm4b:s2+s6], $0x80, s3, s6, $0xb8;
	[tilespmem:$0x10200] =	vst v63  }
0x61: {  	_ =	swait.ge [sflag:s7], $0x10000  }
0x62: {  	[sflag:s7] =	ssyncset.done $0x0  }
0x63: {  	[sflag:s7] =	ssyncadd.s32 $0xFFFF0000  }
0x64: {  	[hbm4b:s10+s3] =	stream.linear.scatter [tilespmem:s6], [sflag:$0x2], $0x10000, $0x38;
	[tilespmem:$0x10200] =	vst v63  }
0x65: {  	_ =	swait.ge [sflag:s4], $0x10000  }
0x66: {  	[sflag:s4] =	ssyncset.done $0x0  }
0x67: {  	[sflag:s4] =	ssyncadd.s32 $0xFFFF0000  }
0x68: {  	[tilespmem:s3], [sflag:$0x2] =	stream.linear.gather [hbm4b:s11+s3], $0x200, $0x38;
	[tilespmem:$0x10200] =	vst v63  }
0x69: {  	_ =	swait.ge [sflag:s4], $0x200  }
0x6a: {  	[sflag:s4] =	ssyncset.done $0x0  }
0x6b: {  	[sflag:s4] =	ssyncadd.s32 $0xFFFFFE00  }
0x6c: {  	[tilespmem:s6], [sflag:$0x1] =	stream.indirect.gather [hbm4b:s2+s6], $0x80, s3, s6, $0xb8;
	[tilespmem:$0x10200] =	vst v63  }
0x6d: {  	_ =	swait.ge [sflag:s7], $0x10000  }
0x6e: {  	[sflag:s7] =	ssyncset.done $0x0  }
0x6f: {  	[sflag:s7] =	ssyncadd.s32 $0xFFFF0000  }
0x70: {  	[hbm4b:s12+s3] =	stream.linear.scatter [tilespmem:s6], [sflag:$0x2], $0x10000, $0x38;
	[tilespmem:$0x10200] =	vst v63  }
0x71: {  	_ =	swait.ge [sflag:s4], $0x10000  }
0x72: {  	[sflag:s4] =	ssyncset.done $0x0  }
0x73: {  	[sflag:s4] =	ssyncadd.s32 $0xFFFF0000  }
0x74: {  	[tilespmem:s3], [sflag:$0x2] =	stream.linear.gather [hbm4b:s13+s3], $0x200, $0x38;
	[tilespmem:$0x10200] =	vst v63  }
0x75: {  	_ =	swait.ge [sflag:s4], $0x200  }
0x76: {  	[sflag:s4] =	ssyncset.done $0x0  }
0x77: {  	[sflag:s4] =	ssyncadd.s32 $0xFFFFFE00  }
0x78: {  	[tilespmem:s6], [sflag:$0x1] =	stream.indirect.gather [hbm4b:s2+s6], $0x80, s3, s6, $0xb8;
	[tilespmem:$0x10200] =	vst v63  }
0x79: {  	_ =	swait.ge [sflag:s7], $0x10000  }
0x7a: {  	[sflag:s7] =	ssyncset.done $0x0  }
0x7b: {  	[sflag:s7] =	ssyncadd.s32 $0xFFFF0000  }
0x7c: {  	[hbm4b:s14+s3] =	stream.linear.scatter [tilespmem:s6], [sflag:$0x2], $0x10000, $0x38;
	[tilespmem:$0x10200] =	vst v63  }
0x7d: {  	_ =	swait.ge [sflag:s4], $0x10000  }
0x7e: {  	[sflag:s4] =	ssyncset.done $0x0  }
0x7f: {  	[sflag:s4] =	ssyncadd.s32 $0xFFFF0000  }
0x80: {  	[tilespmem:s3], [sflag:$0x2] =	stream.linear.gather [hbm4b:s15+s3], $0x200, $0x38;
	[tilespmem:$0x10200] =	vst v63  }
0x81: {  	_ =	swait.ge [sflag:s4], $0x200  }
0x82: {  	[sflag:s4] =	ssyncset.done $0x0  }
0x83: {  	[sflag:s4] =	ssyncadd.s32 $0xFFFFFE00  }
0x84: {  	[tilespmem:s6], [sflag:$0x1] =	stream.indirect.gather [hbm4b:s2+s6], $0x80, s3, s6, $0xb8;
	[tilespmem:$0x10200] =	vst v63  }
0x85: {  	_ =	swait.ge [sflag:s7], $0x10000  }
0x86: {  	[sflag:s7] =	ssyncset.done $0x0  }
0x87: {  	[sflag:s7] =	ssyncadd.s32 $0xFFFF0000  }
0x88: {  	[hbm4b:s16+s3] =	stream.linear.scatter [tilespmem:s6], [sflag:$0x2], $0x10000, $0x38;
	[tilespmem:$0x10200] =	vst v63  }
0x89: {  	_ =	swait.ge [sflag:s4], $0x10000  }
0x8a: {  	[sflag:s4] =	ssyncset.done $0x0  }
0x8b: {  	[sflag:s4] =	ssyncadd.s32 $0xFFFF0000  }
0x8c: {  	[tilespmem:s3], [sflag:$0x2] =	stream.linear.gather [hbm4b:s17+s3], $0x200, $0x38;
	[tilespmem:$0x10200] =	vst v63  }
0x8d: {  	_ =	swait.ge [sflag:s4], $0x200  }
0x8e: {  	[sflag:s4] =	ssyncset.done $0x0  }
0x8f: {  	[sflag:s4] =	ssyncadd.s32 $0xFFFFFE00  }
0x90: {  	[tilespmem:s6], [sflag:$0x1] =	stream.indirect.gather [hbm4b:s2+s6], $0x80, s3, s6, $0xb8;
	[tilespmem:$0x10200] =	vst v63  }
0x91: {  	_ =	swait.ge [sflag:s7], $0x10000  }
.Ltmp1:
0x92: {  	[sflag:s7] =	ssyncset.done $0x0;
	(pc) =	sbr.rel @p0 .LBB2_1-.Ltmp1, $4  }
0x93: {  	[sflag:s7] =	ssyncadd.s32 $0xFFFF0000  }
0x94: {  	[hbm4b:s18+s3] =	stream.linear.scatter [tilespmem:s6], [sflag:$0x2], $0x10000, $0x38;
	[tilespmem:$0x10200] =	vst v63  }
0x95: {  	_ =	swait.ge [sflag:s4], $0x10000  }
0x96: {  	[sflag:s4] =	ssyncset.done $0x0  }
.LBB2_2:
0x97: {  	[sflag:s4] =	ssyncadd.s32 $0xFFFF0000  }
0x98: {  	_ =	sfence.sel $0x180000  }
0x99: {  	[bflag:$0x0] =	sbarrier.arrive $0xFFFF  }
0x9a: {  	p0 =	sne.s32 s0, $0x0;
	_ =	strace $0x90000047  }
0x9b: {  	s0 =	sadd.s32 @!p0 $0x100000, s1;
	[bflag:$0x2] =	sbarrier.arrive $0xFFFF  }
0x9c: {  	[sflag:s0] =	ssyncadd.tile.s32 @!p0 $0x1;
	_ =	shalt  }
.Lfunc_end2:
_tile_overlayer_lowered:
.L_overlay_start_2:
0x9d: {  	(tag) =	ssettag $0x2  }
0x9e: {  	s0 =	rddreg [dreg:$0x0];
	s2 =	stileid.u32  }
0x9f: {  	s1 =	rddreg [dreg:$0x1];
	p0 =	sne.s32 s2, $0x0  }
0xa0: {  	s3 =	rddreg [dreg:$0x2];
	[bflag:$0x3] =	sbarrier.arrive $0xFFFF;
	s2 =	simm.s32 @!p0 $0x1C02  }
0xa1: {  	[timem:s3], [sflag:s2] =	dma.local @!p0 [hbm:s0], s1  }
0xa2: {  	s0 =	simm.s32 @!p0 $0x2  }
0xa3: {  	_ =	swait.ge @!p0 [sflag:s0], s1  }
0xa4: {  	s1 =	ssub.s32 @!p0 $0x0, s1;
	[sflag:s0] =	ssyncset.done @!p0 $0x0  }
0xa5: {  	[sflag:s0] =	ssyncadd.s32 @!p0 s1  }
0xa6: {  	[bflag:$0x3] =	sbarrier.arrive $0xFFFF  }
0xa7: {  	_ =	shalt  }

</sc_bundles>
